<compile_context>
chip_gen: v7x
topology: tpu7x:2x2x1
jax: 0.10.2.dev20260603
libtpu: 0.0.44.dev20260713+nightly
codegen_flags: <defaults>
</compile_context>

<pallas_src>
import functools

import jax
import jax.numpy as jnp
from jax import lax
from jax.experimental import pallas as pl
from jax.experimental.pallas import tpu as pltpu
from jax.experimental.pallas import tpu_sc as plsc

HIDDEN_DIM = 2048
N_EXPERTS = 16
TOPK = 2

LANES = 16
NUM_CORES = 2
NUM_SUBCORES = 16
NUM_WORKERS = NUM_CORES * NUM_SUBCORES
TOKEN_BLOCK = 512


N_BUF = 4


AUTO_BLOCK = 512


def _logits_body(n_steps, xf_ref, x_hbm, wt_ref, out_f_ref, out_b_ref,
                 *scratch):
    i = pl.program_id(0)
    half = n_steps * AUTO_BLOCK
    rings = [(scratch[:N_BUF], scratch[N_BUF], half)]
    wt = wt_ref[...].astype(jnp.bfloat16)

    def copy(ring, c, slot):
        bufs, sems, row0 = ring
        return pltpu.make_async_copy(
            x_hbm.at[pl.ds(row0 + c * TOKEN_BLOCK, TOKEN_BLOCK), :],
            bufs[slot], sems.at[slot])

    @pl.when(i == 0)
    def _():
        for ring in rings:
            for b in range(N_BUF):
                copy(ring, b, b).start()

    out_f_ref[...] = jnp.dot(xf_ref[...].astype(jnp.bfloat16), wt,
                             preferred_element_type=jnp.float32).T

    for r, ring in enumerate(rings):
        for b in range(N_BUF):
            @pl.when(lax.rem(i, N_BUF) == b)
            def _(r=r, ring=ring, b=b):
                copy(ring, i, b).wait()
                out_b_ref[:, pl.ds(i * TOKEN_BLOCK, TOKEN_BLOCK)] = (
                    jnp.dot(ring[0][b][...].astype(jnp.bfloat16), wt,
                            preferred_element_type=jnp.float32).T)

                @pl.when(i + N_BUF < n_steps)
                def _():
                    copy(ring, i + N_BUF, b).start()


def _compute_logits(x_flat, w_t):
    n_tokens = x_flat.shape[0]
    n_steps = (n_tokens // 2) // AUTO_BLOCK
    out_f, out_b = pl.pallas_call(
        functools.partial(_logits_body, n_steps),
        grid=(n_steps,),
        in_specs=[
            pl.BlockSpec((AUTO_BLOCK, HIDDEN_DIM), lambda i: (i, 0)),
            pl.BlockSpec(memory_space=pl.ANY),
            pl.BlockSpec((HIDDEN_DIM, N_EXPERTS), lambda i: (0, 0)),
        ],
        out_specs=[
            pl.BlockSpec((N_EXPERTS, AUTO_BLOCK), lambda i: (0, i)),
            pl.BlockSpec(memory_space=pltpu.MemorySpace.VMEM),
        ],
        out_shape=[
            jax.ShapeDtypeStruct((N_EXPERTS, n_tokens // 2), jnp.float32),
            jax.ShapeDtypeStruct((N_EXPERTS, n_tokens // 2), jnp.float32),
        ],
        scratch_shapes=(
            [pltpu.VMEM((TOKEN_BLOCK, HIDDEN_DIM), jnp.float32)
             for _ in range(N_BUF)]
            + [pltpu.SemaphoreType.DMA((N_BUF,))]
        ),
    )(x_flat, x_flat, w_t)
    return out_f, out_b


@functools.lru_cache(maxsize=None)
def _make_router(n_tokens):
    rpw = n_tokens // NUM_WORKERS
    n_groups = rpw // LANES
    mesh = plsc.VectorSubcoreMesh(
        core_axis_name="c", subcore_axis_name="s",
        num_cores=NUM_CORES, num_subcores=NUM_SUBCORES)

    @functools.partial(
        pl.kernel,
        out_type=(
            jax.ShapeDtypeStruct((n_tokens,), jnp.float32),
            jax.ShapeDtypeStruct((n_tokens,), jnp.float32),
            jax.ShapeDtypeStruct((n_tokens,), jnp.int32),
            jax.ShapeDtypeStruct((n_tokens,), jnp.int32),
        ),
        mesh=mesh,
        scratch_types=[
            pltpu.VMEM((N_EXPERTS, rpw), jnp.float32),
            pltpu.VMEM((rpw,), jnp.float32),
            pltpu.VMEM((rpw,), jnp.float32),
            pltpu.VMEM((rpw,), jnp.int32),
            pltpu.VMEM((rpw,), jnp.int32),
        ],
        compiler_params=pltpu.CompilerParams(needs_layout_passes=False),
    )
    def route(lf_hbm, lb_hbm, w1_hbm, w2_hbm, i1_hbm, i2_hbm,
              lg_v, w1_v, w2_v, i1_v, i2_v):
        wid = lax.axis_index("s") * NUM_CORES + lax.axis_index("c")
        base = wid * rpw
        half = n_tokens // 2

        @pl.when(base < half)
        def _():
            pltpu.sync_copy(lf_hbm.at[:, pl.ds(base, rpw)], lg_v)

        @pl.when(base >= half)
        def _():
            pltpu.sync_copy(lb_hbm.at[:, pl.ds(base - half, rpw)], lg_v)

        def body(g, carry):
            row0 = g * LANES
            e = [lg_v[j, pl.ds(row0, LANES)] for j in range(N_EXPERTS)]
            m1 = e[0]
            i1 = jnp.zeros((LANES,), jnp.int32)
            for j in range(1, N_EXPERTS):
                gt = e[j] > m1
                m1 = jnp.where(gt, e[j], m1)
                i1 = jnp.where(gt, jnp.int32(j), i1)
            m2 = jnp.full((LANES,), -jnp.inf, jnp.float32)
            i2 = jnp.zeros((LANES,), jnp.int32)
            for j in range(N_EXPERTS):
                ok = jnp.logical_and(e[j] > m2, i1 != jnp.int32(j))
                m2 = jnp.where(ok, e[j], m2)
                i2 = jnp.where(ok, jnp.int32(j), i2)
            w1 = 1.0 / (1.0 + jnp.exp(m2 - m1))
            w2 = 1.0 - w1
            w1_v[pl.ds(row0, LANES)] = w1
            w2_v[pl.ds(row0, LANES)] = w2
            i1_v[pl.ds(row0, LANES)] = i1
            i2_v[pl.ds(row0, LANES)] = i2
            return carry

        lax.fori_loop(0, n_groups, body, 0)
        pltpu.sync_copy(w1_v, w1_hbm.at[pl.ds(base, rpw)])
        pltpu.sync_copy(w2_v, w2_hbm.at[pl.ds(base, rpw)])
        pltpu.sync_copy(i1_v, i1_hbm.at[pl.ds(base, rpw)])
        pltpu.sync_copy(i2_v, i2_hbm.at[pl.ds(base, rpw)])

    return route


def kernel(x, W_router):
    n_tokens = x.shape[0] * x.shape[1]
    x_flat = x.reshape(n_tokens, HIDDEN_DIM)
    out_f, out_b = _compute_logits(x_flat, W_router.T)
    w1, w2, i1, i2 = _make_router(n_tokens)(out_f, out_b)
    return (jnp.stack((w1, w2), axis=-1), jnp.stack((i1, i2), axis=-1))

# --- scband reference (transcript-rebuilt; emitter-appended) ---
"""Pipeline reference for scband-mo-erouter-34703335752415 (READ-ONLY COPY).

The authoritative reference and input builder live on the scoring server;
editing this copy changes nothing except your own understanding.
"""

import jax, jax.numpy as jnp
import numpy as np

HIDDEN_DIM = 2048
N_EXPERTS = 16
TOPK = 2

def setup_inputs(seed: int = 0) -> dict:
    key = jax.random.key(seed)
    k1, k2 = jax.random.split(key)
    x = jax.random.normal(k1, (4, 4096, HIDDEN_DIM), dtype=jnp.float32)
    # nn.Linear weight: [out_features, in_features] = [N_EXPERTS, HIDDEN_DIM]
    bound = 1.0 / np.sqrt(HIDDEN_DIM)
    W_router = jax.random.uniform(k2, (N_EXPERTS, HIDDEN_DIM), dtype=jnp.float32, minval=-bound, maxval=bound)
    return {"x": x, "W_router": W_router}

def reference(x, W_router):
    hidden_dim = x.shape[-1]
    x_flat = x.reshape(-1, hidden_dim)
    # Linear (no bias): x @ W^T
    router_logits = x_flat @ W_router.T
    probabilities = jax.nn.softmax(router_logits, axis=1)
    topk_weights, topk_indices = jax.lax.top_k(probabilities, TOPK)
    total = jnp.sum(topk_weights, axis=-1, keepdims=True)
    topk_weights = topk_weights / total
    return (topk_weights, topk_indices)

if __name__ == "__main__":
    import jax
    _d = setup_inputs()
    print(jax.jit(kernel)(*tuple(_d.values())))

</pallas_src>

<mosaic_0001>
#map = affine_map<(d0, d1) -> (0, 0)>
#map1 = affine_map<(d0, d1) -> (0)>
module attributes {stable_mosaic.version = 14 : i64} {
  func.func @route(%arg0: i32, %arg1: i32, %arg2: memref<16x8192xf32, #tpu.memory_space<hbm>>, %arg3: memref<16x8192xf32, #tpu.memory_space<hbm>>, %arg4: memref<16384xf32, #tpu.memory_space<hbm>>, %arg5: memref<16384xf32, #tpu.memory_space<hbm>>, %arg6: memref<16384xi32, #tpu.memory_space<hbm>>, %arg7: memref<16384xi32, #tpu.memory_space<hbm>>, %arg8: memref<16x512xf32, #tpu.memory_space<vmem>>, %arg9: memref<512xf32, #tpu.memory_space<vmem>>, %arg10: memref<512xf32, #tpu.memory_space<vmem>>, %arg11: memref<512xi32, #tpu.memory_space<vmem>>, %arg12: memref<512xi32, #tpu.memory_space<vmem>>) attributes {dimension_semantics = [#tpu.dimension_semantics<core_parallel>, #tpu.dimension_semantics<subcore_parallel>], iteration_bounds = array<i64: 2, 16>, scalar_prefetch = 0 : i64, scratch_operands = 5 : i64, tpu.core_type = #tpu.core_type<sc_vector_subcore>, window_params = [{transform_indices = #map}, {transform_indices = #map}, {transform_indices = #map1}, {transform_indices = #map1}, {transform_indices = #map1}, {transform_indices = #map1}]} {
    %mul3A = arith.constant 2 : i32
    %mul3A_0 = arith.muli %arg1, %mul3A : i32
    %add3A = arith.addi %mul3A_0, %arg0 : i32
    %mul3A_1 = arith.constant 512 : i32
    %mul3A_2 = arith.muli %add3A, %mul3A_1 : i32
    %lt3A = arith.constant 8192 : i32
    %lt3A_3 = arith.cmpi slt, %mul3A_2, %lt3A : i32
    %convert_element_type3A = arith.extui %lt3A_3 : i1 to i32
    %cond3A = arith.constant 0 : i32
    %cond3A_4 = arith.cmpi ne, %convert_element_type3A, %cond3A : i32
    scf.if %cond3A_4 {
      "tpu.region"() ({
        %run_scoped3A = tpu.sem_alloc : memref<!tpu.dma_semaphore, #tpu.memory_space<semaphore_mem>>
        %dma_start3A = arith.constant 0 : i32
        %dma_start3A_14 = tpu.memref_slice %arg2[%dma_start3A, %mul3A_2] : memref<16x8192xf32, #tpu.memory_space<hbm>> -> memref<16x512xf32, #tpu.memory_space<hbm>>
        %dma_start3A_15 = arith.constant 0 : i32
        %dma_start3A_16 = tpu.memref_slice %arg2[%dma_start3A_15, %mul3A_2] : memref<16x8192xf32, #tpu.memory_space<hbm>> -> memref<16x512xf32, #tpu.memory_space<hbm>>
        tpu.enqueue_dma source(%dma_start3A_16 : memref<16x512xf32, #tpu.memory_space<hbm>>) target(%arg8 : memref<16x512xf32, #tpu.memory_space<vmem>>) target_semaphore(%run_scoped3A : memref<!tpu.dma_semaphore, #tpu.memory_space<semaphore_mem>>)
        %dma_wait3A = arith.constant 0 : i32
        %dma_wait3A_17 = tpu.memref_slice %arg2[%dma_wait3A, %mul3A_2] : memref<16x8192xf32, #tpu.memory_space<hbm>> -> memref<16x512xf32, #tpu.memory_space<hbm>>
        %dma_wait3A_18 = arith.constant 0 : i32
        %dma_wait3A_19 = tpu.memref_slice %arg2[%dma_wait3A_18, %mul3A_2] : memref<16x8192xf32, #tpu.memory_space<hbm>> -> memref<16x512xf32, #tpu.memory_space<hbm>>
        tpu.wait_dma2 semaphore(%run_scoped3A : memref<!tpu.dma_semaphore, #tpu.memory_space<semaphore_mem>>) src(%dma_wait3A_19 : memref<16x512xf32, #tpu.memory_space<hbm>>) dst(%arg8 : memref<16x512xf32, #tpu.memory_space<vmem>>)
        tpu.yield
      }) : () -> ()
    } else {
    }
    %ge3A = arith.constant 8192 : i32
    %ge3A_5 = arith.cmpi sge, %mul3A_2, %ge3A : i32
    %convert_element_type3A_6 = arith.extui %ge3A_5 : i1 to i32
    %cond3A_7 = arith.constant 0 : i32
    %cond3A_8 = arith.cmpi ne, %convert_element_type3A_6, %cond3A_7 : i32
    scf.if %cond3A_8 {
      %sub3A = arith.constant 8192 : i32
      %sub3A_14 = arith.subi %mul3A_2, %sub3A : i32
      "tpu.region"() ({
        %run_scoped3A = tpu.sem_alloc : memref<!tpu.dma_semaphore, #tpu.memory_space<semaphore_mem>>
        %dma_start3A = arith.constant 0 : i32
        %dma_start3A_15 = tpu.memref_slice %arg3[%dma_start3A, %sub3A_14] : memref<16x8192xf32, #tpu.memory_space<hbm>> -> memref<16x512xf32, #tpu.memory_space<hbm>>
        %dma_start3A_16 = arith.constant 0 : i32
        %dma_start3A_17 = tpu.memref_slice %arg3[%dma_start3A_16, %sub3A_14] : memref<16x8192xf32, #tpu.memory_space<hbm>> -> memref<16x512xf32, #tpu.memory_space<hbm>>
        tpu.enqueue_dma source(%dma_start3A_17 : memref<16x512xf32, #tpu.memory_space<hbm>>) target(%arg8 : memref<16x512xf32, #tpu.memory_space<vmem>>) target_semaphore(%run_scoped3A : memref<!tpu.dma_semaphore, #tpu.memory_space<semaphore_mem>>)
        %dma_wait3A = arith.constant 0 : i32
        %dma_wait3A_18 = tpu.memref_slice %arg3[%dma_wait3A, %sub3A_14] : memref<16x8192xf32, #tpu.memory_space<hbm>> -> memref<16x512xf32, #tpu.memory_space<hbm>>
        %dma_wait3A_19 = arith.constant 0 : i32
        %dma_wait3A_20 = tpu.memref_slice %arg3[%dma_wait3A_19, %sub3A_14] : memref<16x8192xf32, #tpu.memory_space<hbm>> -> memref<16x512xf32, #tpu.memory_space<hbm>>
        tpu.wait_dma2 semaphore(%run_scoped3A : memref<!tpu.dma_semaphore, #tpu.memory_space<semaphore_mem>>) src(%dma_wait3A_20 : memref<16x512xf32, #tpu.memory_space<hbm>>) dst(%arg8 : memref<16x512xf32, #tpu.memory_space<vmem>>)
        tpu.yield
      }) : () -> ()
    } else {
    }
    %scan3A = arith.constant 0 : i32
    %scan3A_9 = arith.constant 0 : i32
    %scan3A_10 = arith.constant 32 : i32
    %scan3A_11 = arith.addi %scan3A_9, %scan3A_10 : i32
    %scan3A_12 = arith.constant 1 : i32
    scf.for %scan3A_14 = %scan3A_9 to %scan3A_11 step %scan3A_12  : i32 {
      %mul3A_15 = arith.constant 16 : i32
      %mul3A_16 = arith.muli %scan3A_14, %mul3A_15 : i32
      %get3A = arith.constant 0 : i32
      %get3A_17 = arith.index_cast %get3A : i32 to index
      %get3A_18 = arith.index_cast %mul3A_16 : i32 to index
      %get3A_19 = tpu.vector_load %arg8[%get3A_17, %get3A_18] {strides = array<i32>} : memref<16x512xf32, #tpu.memory_space<vmem>>, vector<16xf32>,
      %get3A_20 = arith.constant 1 : i32
      %get3A_21 = arith.index_cast %get3A_20 : i32 to index
      %get3A_22 = arith.index_cast %mul3A_16 : i32 to index
      %get3A_23 = tpu.vector_load %arg8[%get3A_21, %get3A_22] {strides = array<i32>} : memref<16x512xf32, #tpu.memory_space<vmem>>, vector<16xf32>,
      %get3A_24 = arith.constant 2 : i32
      %get3A_25 = arith.index_cast %get3A_24 : i32 to index
      %get3A_26 = arith.index_cast %mul3A_16 : i32 to index
      %get3A_27 = tpu.vector_load %arg8[%get3A_25, %get3A_26] {strides = array<i32>} : memref<16x512xf32, #tpu.memory_space<vmem>>, vector<16xf32>,
      %get3A_28 = arith.constant 3 : i32
      %get3A_29 = arith.index_cast %get3A_28 : i32 to index
      %get3A_30 = arith.index_cast %mul3A_16 : i32 to index
      %get3A_31 = tpu.vector_load %arg8[%get3A_29, %get3A_30] {strides = array<i32>} : memref<16x512xf32, #tpu.memory_space<vmem>>, vector<16xf32>,
      %get3A_32 = arith.constant 4 : i32
      %get3A_33 = arith.index_cast %get3A_32 : i32 to index
      %get3A_34 = arith.index_cast %mul3A_16 : i32 to index
      %get3A_35 = tpu.vector_load %arg8[%get3A_33, %get3A_34] {strides = array<i32>} : memref<16x512xf32, #tpu.memory_space<vmem>>, vector<16xf32>,
      %get3A_36 = arith.constant 5 : i32
      %get3A_37 = arith.index_cast %get3A_36 : i32 to index
      %get3A_38 = arith.index_cast %mul3A_16 : i32 to index
      %get3A_39 = tpu.vector_load %arg8[%get3A_37, %get3A_38] {strides = array<i32>} : memref<16x512xf32, #tpu.memory_space<vmem>>, vector<16xf32>,
      %get3A_40 = arith.constant 6 : i32
      %get3A_41 = arith.index_cast %get3A_40 : i32 to index
      %get3A_42 = arith.index_cast %mul3A_16 : i32 to index
      %get3A_43 = tpu.vector_load %arg8[%get3A_41, %get3A_42] {strides = array<i32>} : memref<16x512xf32, #tpu.memory_space<vmem>>, vector<16xf32>,
      %get3A_44 = arith.constant 7 : i32
      %get3A_45 = arith.index_cast %get3A_44 : i32 to index
      %get3A_46 = arith.index_cast %mul3A_16 : i32 to index
      %get3A_47 = tpu.vector_load %arg8[%get3A_45, %get3A_46] {strides = array<i32>} : memref<16x512xf32, #tpu.memory_space<vmem>>, vector<16xf32>,
      %get3A_48 = arith.constant 8 : i32
      %get3A_49 = arith.index_cast %get3A_48 : i32 to index
      %get3A_50 = arith.index_cast %mul3A_16 : i32 to index
      %get3A_51 = tpu.vector_load %arg8[%get3A_49, %get3A_50] {strides = array<i32>} : memref<16x512xf32, #tpu.memory_space<vmem>>, vector<16xf32>,
      %get3A_52 = arith.constant 9 : i32
      %get3A_53 = arith.index_cast %get3A_52 : i32 to index
      %get3A_54 = arith.index_cast %mul3A_16 : i32 to index
      %get3A_55 = tpu.vector_load %arg8[%get3A_53, %get3A_54] {strides = array<i32>} : memref<16x512xf32, #tpu.memory_space<vmem>>, vector<16xf32>,
      %get3A_56 = arith.constant 10 : i32
      %get3A_57 = arith.index_cast %get3A_56 : i32 to index
      %get3A_58 = arith.index_cast %mul3A_16 : i32 to index
      %get3A_59 = tpu.vector_load %arg8[%get3A_57, %get3A_58] {strides = array<i32>} : memref<16x512xf32, #tpu.memory_space<vmem>>, vector<16xf32>,
      %get3A_60 = arith.constant 11 : i32
      %get3A_61 = arith.index_cast %get3A_60 : i32 to index
      %get3A_62 = arith.index_cast %mul3A_16 : i32 to index
      %get3A_63 = tpu.vector_load %arg8[%get3A_61, %get3A_62] {strides = array<i32>} : memref<16x512xf32, #tpu.memory_space<vmem>>, vector<16xf32>,
      %get3A_64 = arith.constant 12 : i32
      %get3A_65 = arith.index_cast %get3A_64 : i32 to index
      %get3A_66 = arith.index_cast %mul3A_16 : i32 to index
      %get3A_67 = tpu.vector_load %arg8[%get3A_65, %get3A_66] {strides = array<i32>} : memref<16x512xf32, #tpu.memory_space<vmem>>, vector<16xf32>,
      %get3A_68 = arith.constant 13 : i32
      %get3A_69 = arith.index_cast %get3A_68 : i32 to index
      %get3A_70 = arith.index_cast %mul3A_16 : i32 to index
      %get3A_71 = tpu.vector_load %arg8[%get3A_69, %get3A_70] {strides = array<i32>} : memref<16x512xf32, #tpu.memory_space<vmem>>, vector<16xf32>,
      %get3A_72 = arith.constant 14 : i32
      %get3A_73 = arith.index_cast %get3A_72 : i32 to index
      %get3A_74 = arith.index_cast %mul3A_16 : i32 to index
      %get3A_75 = tpu.vector_load %arg8[%get3A_73, %get3A_74] {strides = array<i32>} : memref<16x512xf32, #tpu.memory_space<vmem>>, vector<16xf32>,
      %get3A_76 = arith.constant 15 : i32
      %get3A_77 = arith.index_cast %get3A_76 : i32 to index
      %get3A_78 = arith.index_cast %mul3A_16 : i32 to index
      %get3A_79 = tpu.vector_load %arg8[%get3A_77, %get3A_78] {strides = array<i32>} : memref<16x512xf32, #tpu.memory_space<vmem>>, vector<16xf32>,
      %broadcast_in_dim3A = arith.constant 0 : i32
      %broadcast_in_dim3A_80 = vector.broadcast %broadcast_in_dim3A : i32 to vector<16xi32>
      %gt3A = arith.cmpf ogt, %get3A_23, %get3A_19 : vector<16xf32>
      %select_n3A = arith.select %gt3A, %get3A_23, %get3A_19 : vector<16xi1>, vector<16xf32>
      %jit3A = arith.constant 1 : i32
      %broadcast_in_dim3A_81 = vector.broadcast %jit3A : i32 to vector<16xi32>
      %select_n3A_82 = arith.select %gt3A, %broadcast_in_dim3A_81, %broadcast_in_dim3A_80 : vector<16xi1>, vector<16xi32>
      %gt3A_83 = arith.cmpf ogt, %get3A_27, %select_n3A : vector<16xf32>
      %select_n3A_84 = arith.select %gt3A_83, %get3A_27, %select_n3A : vector<16xi1>, vector<16xf32>
      %jit3A_85 = arith.constant 2 : i32
      %broadcast_in_dim3A_86 = vector.broadcast %jit3A_85 : i32 to vector<16xi32>
      %select_n3A_87 = arith.select %gt3A_83, %broadcast_in_dim3A_86, %select_n3A_82 : vector<16xi1>, vector<16xi32>
      %gt3A_88 = arith.cmpf ogt, %get3A_31, %select_n3A_84 : vector<16xf32>
      %select_n3A_89 = arith.select %gt3A_88, %get3A_31, %select_n3A_84 : vector<16xi1>, vector<16xf32>
      %jit3A_90 = arith.constant 3 : i32
      %broadcast_in_dim3A_91 = vector.broadcast %jit3A_90 : i32 to vector<16xi32>
      %select_n3A_92 = arith.select %gt3A_88, %broadcast_in_dim3A_91, %select_n3A_87 : vector<16xi1>, vector<16xi32>
      %gt3A_93 = arith.cmpf ogt, %get3A_35, %select_n3A_89 : vector<16xf32>
      %select_n3A_94 = arith.select %gt3A_93, %get3A_35, %select_n3A_89 : vector<16xi1>, vector<16xf32>
      %jit3A_95 = arith.constant 4 : i32
      %broadcast_in_dim3A_96 = vector.broadcast %jit3A_95 : i32 to vector<16xi32>
      %select_n3A_97 = arith.select %gt3A_93, %broadcast_in_dim3A_96, %select_n3A_92 : vector<16xi1>, vector<16xi32>
      %gt3A_98 = arith.cmpf ogt, %get3A_39, %select_n3A_94 : vector<16xf32>
      %select_n3A_99 = arith.select %gt3A_98, %get3A_39, %select_n3A_94 : vector<16xi1>, vector<16xf32>
      %jit3A_100 = arith.constant 5 : i32
      %broadcast_in_dim3A_101 = vector.broadcast %jit3A_100 : i32 to vector<16xi32>
      %select_n3A_102 = arith.select %gt3A_98, %broadcast_in_dim3A_101, %select_n3A_97 : vector<16xi1>, vector<16xi32>
      %gt3A_103 = arith.cmpf ogt, %get3A_43, %select_n3A_99 : vector<16xf32>
      %select_n3A_104 = arith.select %gt3A_103, %get3A_43, %select_n3A_99 : vector<16xi1>, vector<16xf32>
      %jit3A_105 = arith.constant 6 : i32
      %broadcast_in_dim3A_106 = vector.broadcast %jit3A_105 : i32 to vector<16xi32>
      %select_n3A_107 = arith.select %gt3A_103, %broadcast_in_dim3A_106, %select_n3A_102 : vector<16xi1>, vector<16xi32>
      %gt3A_108 = arith.cmpf ogt, %get3A_47, %select_n3A_104 : vector<16xf32>
      %select_n3A_109 = arith.select %gt3A_108, %get3A_47, %select_n3A_104 : vector<16xi1>, vector<16xf32>
      %jit3A_110 = arith.constant 7 : i32
      %broadcast_in_dim3A_111 = vector.broadcast %jit3A_110 : i32 to vector<16xi32>
      %select_n3A_112 = arith.select %gt3A_108, %broadcast_in_dim3A_111, %select_n3A_107 : vector<16xi1>, vector<16xi32>
      %gt3A_113 = arith.cmpf ogt, %get3A_51, %select_n3A_109 : vector<16xf32>
      %select_n3A_114 = arith.select %gt3A_113, %get3A_51, %select_n3A_109 : vector<16xi1>, vector<16xf32>
      %jit3A_115 = arith.constant 8 : i32
      %broadcast_in_dim3A_116 = vector.broadcast %jit3A_115 : i32 to vector<16xi32>
      %select_n3A_117 = arith.select %gt3A_113, %broadcast_in_dim3A_116, %select_n3A_112 : vector<16xi1>, vector<16xi32>
      %gt3A_118 = arith.cmpf ogt, %get3A_55, %select_n3A_114 : vector<16xf32>
      %select_n3A_119 = arith.select %gt3A_118, %get3A_55, %select_n3A_114 : vector<16xi1>, vector<16xf32>
      %jit3A_120 = arith.constant 9 : i32
      %broadcast_in_dim3A_121 = vector.broadcast %jit3A_120 : i32 to vector<16xi32>
      %select_n3A_122 = arith.select %gt3A_118, %broadcast_in_dim3A_121, %select_n3A_117 : vector<16xi1>, vector<16xi32>
      %gt3A_123 = arith.cmpf ogt, %get3A_59, %select_n3A_119 : vector<16xf32>
      %select_n3A_124 = arith.select %gt3A_123, %get3A_59, %select_n3A_119 : vector<16xi1>, vector<16xf32>
      %jit3A_125 = arith.constant 10 : i32
      %broadcast_in_dim3A_126 = vector.broadcast %jit3A_125 : i32 to vector<16xi32>
      %select_n3A_127 = arith.select %gt3A_123, %broadcast_in_dim3A_126, %select_n3A_122 : vector<16xi1>, vector<16xi32>
      %gt3A_128 = arith.cmpf ogt, %get3A_63, %select_n3A_124 : vector<16xf32>
      %select_n3A_129 = arith.select %gt3A_128, %get3A_63, %select_n3A_124 : vector<16xi1>, vector<16xf32>
      %jit3A_130 = arith.constant 11 : i32
      %broadcast_in_dim3A_131 = vector.broadcast %jit3A_130 : i32 to vector<16xi32>
      %select_n3A_132 = arith.select %gt3A_128, %broadcast_in_dim3A_131, %select_n3A_127 : vector<16xi1>, vector<16xi32>
      %gt3A_133 = arith.cmpf ogt, %get3A_67, %select_n3A_129 : vector<16xf32>
      %select_n3A_134 = arith.select %gt3A_133, %get3A_67, %select_n3A_129 : vector<16xi1>, vector<16xf32>
      %jit3A_135 = arith.constant 12 : i32
      %broadcast_in_dim3A_136 = vector.broadcast %jit3A_135 : i32 to vector<16xi32>
      %select_n3A_137 = arith.select %gt3A_133, %broadcast_in_dim3A_136, %select_n3A_132 : vector<16xi1>, vector<16xi32>
      %gt3A_138 = arith.cmpf ogt, %get3A_71, %select_n3A_134 : vector<16xf32>
      %select_n3A_139 = arith.select %gt3A_138, %get3A_71, %select_n3A_134 : vector<16xi1>, vector<16xf32>
      %jit3A_140 = arith.constant 13 : i32
      %broadcast_in_dim3A_141 = vector.broadcast %jit3A_140 : i32 to vector<16xi32>
      %select_n3A_142 = arith.select %gt3A_138, %broadcast_in_dim3A_141, %select_n3A_137 : vector<16xi1>, vector<16xi32>
      %gt3A_143 = arith.cmpf ogt, %get3A_75, %select_n3A_139 : vector<16xf32>
      %select_n3A_144 = arith.select %gt3A_143, %get3A_75, %select_n3A_139 : vector<16xi1>, vector<16xf32>
      %jit3A_145 = arith.constant 14 : i32
      %broadcast_in_dim3A_146 = vector.broadcast %jit3A_145 : i32 to vector<16xi32>
      %select_n3A_147 = arith.select %gt3A_143, %broadcast_in_dim3A_146, %select_n3A_142 : vector<16xi1>, vector<16xi32>
      %gt3A_148 = arith.cmpf ogt, %get3A_79, %select_n3A_144 : vector<16xf32>
      %select_n3A_149 = arith.select %gt3A_148, %get3A_79, %select_n3A_144 : vector<16xi1>, vector<16xf32>
      %jit3A_150 = arith.constant 15 : i32
      %broadcast_in_dim3A_151 = vector.broadcast %jit3A_150 : i32 to vector<16xi32>
      %select_n3A_152 = arith.select %gt3A_148, %broadcast_in_dim3A_151, %select_n3A_147 : vector<16xi1>, vector<16xi32>
      %broadcast_in_dim3A_153 = arith.constant 0xFF800000 : f32
      %broadcast_in_dim3A_154 = vector.broadcast %broadcast_in_dim3A_153 : f32 to vector<16xf32>
      %broadcast_in_dim3A_155 = arith.constant 0 : i32
      %broadcast_in_dim3A_156 = vector.broadcast %broadcast_in_dim3A_155 : i32 to vector<16xi32>
      %gt3A_157 = arith.cmpf ogt, %get3A_19, %broadcast_in_dim3A_154 : vector<16xf32>
      %ne3A = arith.constant 0 : i32
      %ne3A_158 = vector.broadcast %ne3A : i32 to vector<16xi32>
      %ne3A_159 = arith.cmpi ne, %select_n3A_152, %ne3A_158 : vector<16xi32>
      %and3A = arith.andi %gt3A_157, %ne3A_159 : vector<16xi1>
      %select_n3A_160 = arith.select %and3A, %get3A_19, %broadcast_in_dim3A_154 : vector<16xi1>, vector<16xf32>
      %jit3A_161 = arith.constant 0 : i32
      %broadcast_in_dim3A_162 = vector.broadcast %jit3A_161 : i32 to vector<16xi32>
      %select_n3A_163 = arith.select %and3A, %broadcast_in_dim3A_162, %broadcast_in_dim3A_156 : vector<16xi1>, vector<16xi32>
      %gt3A_164 = arith.cmpf ogt, %get3A_23, %select_n3A_160 : vector<16xf32>
      %ne3A_165 = arith.constant 1 : i32
      %ne3A_166 = vector.broadcast %ne3A_165 : i32 to vector<16xi32>
      %ne3A_167 = arith.cmpi ne, %select_n3A_152, %ne3A_166 : vector<16xi32>
      %and3A_168 = arith.andi %gt3A_164, %ne3A_167 : vector<16xi1>
      %select_n3A_169 = arith.select %and3A_168, %get3A_23, %select_n3A_160 : vector<16xi1>, vector<16xf32>
      %jit3A_170 = arith.constant 1 : i32
      %broadcast_in_dim3A_171 = vector.broadcast %jit3A_170 : i32 to vector<16xi32>
      %select_n3A_172 = arith.select %and3A_168, %broadcast_in_dim3A_171, %select_n3A_163 : vector<16xi1>, vector<16xi32>
      %gt3A_173 = arith.cmpf ogt, %get3A_27, %select_n3A_169 : vector<16xf32>
      %ne3A_174 = arith.constant 2 : i32
      %ne3A_175 = vector.broadcast %ne3A_174 : i32 to vector<16xi32>
      %ne3A_176 = arith.cmpi ne, %select_n3A_152, %ne3A_175 : vector<16xi32>
      %and3A_177 = arith.andi %gt3A_173, %ne3A_176 : vector<16xi1>
      %select_n3A_178 = arith.select %and3A_177, %get3A_27, %select_n3A_169 : vector<16xi1>, vector<16xf32>
      %jit3A_179 = arith.constant 2 : i32
      %broadcast_in_dim3A_180 = vector.broadcast %jit3A_179 : i32 to vector<16xi32>
      %select_n3A_181 = arith.select %and3A_177, %broadcast_in_dim3A_180, %select_n3A_172 : vector<16xi1>, vector<16xi32>
      %gt3A_182 = arith.cmpf ogt, %get3A_31, %select_n3A_178 : vector<16xf32>
      %ne3A_183 = arith.constant 3 : i32
      %ne3A_184 = vector.broadcast %ne3A_183 : i32 to vector<16xi32>
      %ne3A_185 = arith.cmpi ne, %select_n3A_152, %ne3A_184 : vector<16xi32>
      %and3A_186 = arith.andi %gt3A_182, %ne3A_185 : vector<16xi1>
      %select_n3A_187 = arith.select %and3A_186, %get3A_31, %select_n3A_178 : vector<16xi1>, vector<16xf32>
      %jit3A_188 = arith.constant 3 : i32
      %broadcast_in_dim3A_189 = vector.broadcast %jit3A_188 : i32 to vector<16xi32>
      %select_n3A_190 = arith.select %and3A_186, %broadcast_in_dim3A_189, %select_n3A_181 : vector<16xi1>, vector<16xi32>
      %gt3A_191 = arith.cmpf ogt, %get3A_35, %select_n3A_187 : vector<16xf32>
      %ne3A_192 = arith.constant 4 : i32
      %ne3A_193 = vector.broadcast %ne3A_192 : i32 to vector<16xi32>
      %ne3A_194 = arith.cmpi ne, %select_n3A_152, %ne3A_193 : vector<16xi32>
      %and3A_195 = arith.andi %gt3A_191, %ne3A_194 : vector<16xi1>
      %select_n3A_196 = arith.select %and3A_195, %get3A_35, %select_n3A_187 : vector<16xi1>, vector<16xf32>
      %jit3A_197 = arith.constant 4 : i32
      %broadcast_in_dim3A_198 = vector.broadcast %jit3A_197 : i32 to vector<16xi32>
      %select_n3A_199 = arith.select %and3A_195, %broadcast_in_dim3A_198, %select_n3A_190 : vector<16xi1>, vector<16xi32>
      %gt3A_200 = arith.cmpf ogt, %get3A_39, %select_n3A_196 : vector<16xf32>
      %ne3A_201 = arith.constant 5 : i32
      %ne3A_202 = vector.broadcast %ne3A_201 : i32 to vector<16xi32>
      %ne3A_203 = arith.cmpi ne, %select_n3A_152, %ne3A_202 : vector<16xi32>
      %and3A_204 = arith.andi %gt3A_200, %ne3A_203 : vector<16xi1>
      %select_n3A_205 = arith.select %and3A_204, %get3A_39, %select_n3A_196 : vector<16xi1>, vector<16xf32>
      %jit3A_206 = arith.constant 5 : i32
      %broadcast_in_dim3A_207 = vector.broadcast %jit3A_206 : i32 to vector<16xi32>
      %select_n3A_208 = arith.select %and3A_204, %broadcast_in_dim3A_207, %select_n3A_199 : vector<16xi1>, vector<16xi32>
      %gt3A_209 = arith.cmpf ogt, %get3A_43, %select_n3A_205 : vector<16xf32>
      %ne3A_210 = arith.constant 6 : i32
      %ne3A_211 = vector.broadcast %ne3A_210 : i32 to vector<16xi32>
      %ne3A_212 = arith.cmpi ne, %select_n3A_152, %ne3A_211 : vector<16xi32>
      %and3A_213 = arith.andi %gt3A_209, %ne3A_212 : vector<16xi1>
      %select_n3A_214 = arith.select %and3A_213, %get3A_43, %select_n3A_205 : vector<16xi1>, vector<16xf32>
      %jit3A_215 = arith.constant 6 : i32
      %broadcast_in_dim3A_216 = vector.broadcast %jit3A_215 : i32 to vector<16xi32>
      %select_n3A_217 = arith.select %and3A_213, %broadcast_in_dim3A_216, %select_n3A_208 : vector<16xi1>, vector<16xi32>
      %gt3A_218 = arith.cmpf ogt, %get3A_47, %select_n3A_214 : vector<16xf32>
      %ne3A_219 = arith.constant 7 : i32
      %ne3A_220 = vector.broadcast %ne3A_219 : i32 to vector<16xi32>
      %ne3A_221 = arith.cmpi ne, %select_n3A_152, %ne3A_220 : vector<16xi32>
      %and3A_222 = arith.andi %gt3A_218, %ne3A_221 : vector<16xi1>
      %select_n3A_223 = arith.select %and3A_222, %get3A_47, %select_n3A_214 : vector<16xi1>, vector<16xf32>
      %jit3A_224 = arith.constant 7 : i32
      %broadcast_in_dim3A_225 = vector.broadcast %jit3A_224 : i32 to vector<16xi32>
      %select_n3A_226 = arith.select %and3A_222, %broadcast_in_dim3A_225, %select_n3A_217 : vector<16xi1>, vector<16xi32>
      %gt3A_227 = arith.cmpf ogt, %get3A_51, %select_n3A_223 : vector<16xf32>
      %ne3A_228 = arith.constant 8 : i32
      %ne3A_229 = vector.broadcast %ne3A_228 : i32 to vector<16xi32>
      %ne3A_230 = arith.cmpi ne, %select_n3A_152, %ne3A_229 : vector<16xi32>
      %and3A_231 = arith.andi %gt3A_227, %ne3A_230 : vector<16xi1>
      %select_n3A_232 = arith.select %and3A_231, %get3A_51, %select_n3A_223 : vector<16xi1>, vector<16xf32>
      %jit3A_233 = arith.constant 8 : i32
      %broadcast_in_dim3A_234 = vector.broadcast %jit3A_233 : i32 to vector<16xi32>
      %select_n3A_235 = arith.select %and3A_231, %broadcast_in_dim3A_234, %select_n3A_226 : vector<16xi1>, vector<16xi32>
      %gt3A_236 = arith.cmpf ogt, %get3A_55, %select_n3A_232 : vector<16xf32>
      %ne3A_237 = arith.constant 9 : i32
      %ne3A_238 = vector.broadcast %ne3A_237 : i32 to vector<16xi32>
      %ne3A_239 = arith.cmpi ne, %select_n3A_152, %ne3A_238 : vector<16xi32>
      %and3A_240 = arith.andi %gt3A_236, %ne3A_239 : vector<16xi1>
      %select_n3A_241 = arith.select %and3A_240, %get3A_55, %select_n3A_232 : vector<16xi1>, vector<16xf32>
      %jit3A_242 = arith.constant 9 : i32
      %broadcast_in_dim3A_243 = vector.broadcast %jit3A_242 : i32 to vector<16xi32>
      %select_n3A_244 = arith.select %and3A_240, %broadcast_in_dim3A_243, %select_n3A_235 : vector<16xi1>, vector<16xi32>
      %gt3A_245 = arith.cmpf ogt, %get3A_59, %select_n3A_241 : vector<16xf32>
      %ne3A_246 = arith.constant 10 : i32
      %ne3A_247 = vector.broadcast %ne3A_246 : i32 to vector<16xi32>
      %ne3A_248 = arith.cmpi ne, %select_n3A_152, %ne3A_247 : vector<16xi32>
      %and3A_249 = arith.andi %gt3A_245, %ne3A_248 : vector<16xi1>
      %select_n3A_250 = arith.select %and3A_249, %get3A_59, %select_n3A_241 : vector<16xi1>, vector<16xf32>
      %jit3A_251 = arith.constant 10 : i32
      %broadcast_in_dim3A_252 = vector.broadcast %jit3A_251 : i32 to vector<16xi32>
      %select_n3A_253 = arith.select %and3A_249, %broadcast_in_dim3A_252, %select_n3A_244 : vector<16xi1>, vector<16xi32>
      %gt3A_254 = arith.cmpf ogt, %get3A_63, %select_n3A_250 : vector<16xf32>
      %ne3A_255 = arith.constant 11 : i32
      %ne3A_256 = vector.broadcast %ne3A_255 : i32 to vector<16xi32>
      %ne3A_257 = arith.cmpi ne, %select_n3A_152, %ne3A_256 : vector<16xi32>
      %and3A_258 = arith.andi %gt3A_254, %ne3A_257 : vector<16xi1>
      %select_n3A_259 = arith.select %and3A_258, %get3A_63, %select_n3A_250 : vector<16xi1>, vector<16xf32>
      %jit3A_260 = arith.constant 11 : i32
      %broadcast_in_dim3A_261 = vector.broadcast %jit3A_260 : i32 to vector<16xi32>
      %select_n3A_262 = arith.select %and3A_258, %broadcast_in_dim3A_261, %select_n3A_253 : vector<16xi1>, vector<16xi32>
      %gt3A_263 = arith.cmpf ogt, %get3A_67, %select_n3A_259 : vector<16xf32>
      %ne3A_264 = arith.constant 12 : i32
      %ne3A_265 = vector.broadcast %ne3A_264 : i32 to vector<16xi32>
      %ne3A_266 = arith.cmpi ne, %select_n3A_152, %ne3A_265 : vector<16xi32>
      %and3A_267 = arith.andi %gt3A_263, %ne3A_266 : vector<16xi1>
      %select_n3A_268 = arith.select %and3A_267, %get3A_67, %select_n3A_259 : vector<16xi1>, vector<16xf32>
      %jit3A_269 = arith.constant 12 : i32
      %broadcast_in_dim3A_270 = vector.broadcast %jit3A_269 : i32 to vector<16xi32>
      %select_n3A_271 = arith.select %and3A_267, %broadcast_in_dim3A_270, %select_n3A_262 : vector<16xi1>, vector<16xi32>
      %gt3A_272 = arith.cmpf ogt, %get3A_71, %select_n3A_268 : vector<16xf32>
      %ne3A_273 = arith.constant 13 : i32
      %ne3A_274 = vector.broadcast %ne3A_273 : i32 to vector<16xi32>
      %ne3A_275 = arith.cmpi ne, %select_n3A_152, %ne3A_274 : vector<16xi32>
      %and3A_276 = arith.andi %gt3A_272, %ne3A_275 : vector<16xi1>
      %select_n3A_277 = arith.select %and3A_276, %get3A_71, %select_n3A_268 : vector<16xi1>, vector<16xf32>
      %jit3A_278 = arith.constant 13 : i32
      %broadcast_in_dim3A_279 = vector.broadcast %jit3A_278 : i32 to vector<16xi32>
      %select_n3A_280 = arith.select %and3A_276, %broadcast_in_dim3A_279, %select_n3A_271 : vector<16xi1>, vector<16xi32>
      %gt3A_281 = arith.cmpf ogt, %get3A_75, %select_n3A_277 : vector<16xf32>
      %ne3A_282 = arith.constant 14 : i32
      %ne3A_283 = vector.broadcast %ne3A_282 : i32 to vector<16xi32>
      %ne3A_284 = arith.cmpi ne, %select_n3A_152, %ne3A_283 : vector<16xi32>
      %and3A_285 = arith.andi %gt3A_281, %ne3A_284 : vector<16xi1>
      %select_n3A_286 = arith.select %and3A_285, %get3A_75, %select_n3A_277 : vector<16xi1>, vector<16xf32>
      %jit3A_287 = arith.constant 14 : i32
      %broadcast_in_dim3A_288 = vector.broadcast %jit3A_287 : i32 to vector<16xi32>
      %select_n3A_289 = arith.select %and3A_285, %broadcast_in_dim3A_288, %select_n3A_280 : vector<16xi1>, vector<16xi32>
      %gt3A_290 = arith.cmpf ogt, %get3A_79, %select_n3A_286 : vector<16xf32>
      %ne3A_291 = arith.constant 15 : i32
      %ne3A_292 = vector.broadcast %ne3A_291 : i32 to vector<16xi32>
      %ne3A_293 = arith.cmpi ne, %select_n3A_152, %ne3A_292 : vector<16xi32>
      %and3A_294 = arith.andi %gt3A_290, %ne3A_293 : vector<16xi1>
      %select_n3A_295 = arith.select %and3A_294, %get3A_79, %select_n3A_286 : vector<16xi1>, vector<16xf32>
      %jit3A_296 = arith.constant 15 : i32
      %broadcast_in_dim3A_297 = vector.broadcast %jit3A_296 : i32 to vector<16xi32>
      %select_n3A_298 = arith.select %and3A_294, %broadcast_in_dim3A_297, %select_n3A_289 : vector<16xi1>, vector<16xi32>
      %sub3A = arith.subf %select_n3A_295, %select_n3A_149 : vector<16xf32>
      %exp3A = math.exp %sub3A : vector<16xf32>
      %add3A_299 = arith.constant 1.000000e+00 : f32
      %add3A_300 = vector.broadcast %add3A_299 : f32 to vector<16xf32>
      %add3A_301 = arith.addf %add3A_300, %exp3A : vector<16xf32>
      %div3A = arith.constant 1.000000e+00 : f32
      %div3A_302 = vector.broadcast %div3A : f32 to vector<16xf32>
      %div3A_303 = arith.divf %div3A_302, %add3A_301 : vector<16xf32>
      %sub3A_304 = arith.constant 1.000000e+00 : f32
      %sub3A_305 = vector.broadcast %sub3A_304 : f32 to vector<16xf32>
      %sub3A_306 = arith.subf %sub3A_305, %div3A_303 : vector<16xf32>
      %swap3A = arith.index_cast %mul3A_16 : i32 to index
      %swap3A_307 = tpu.vector_load %arg9[%swap3A] {strides = array<i32>} : memref<512xf32, #tpu.memory_space<vmem>>, vector<16xf32>,
      tpu.vector_store %arg9[%swap3A], %div3A_303 {strides = array<i32>} : memref<512xf32, #tpu.memory_space<vmem>>, vector<16xf32>,
      %swap3A_308 = arith.index_cast %mul3A_16 : i32 to index
      %swap3A_309 = tpu.vector_load %arg10[%swap3A_308] {strides = array<i32>} : memref<512xf32, #tpu.memory_space<vmem>>, vector<16xf32>,
      tpu.vector_store %arg10[%swap3A_308], %sub3A_306 {strides = array<i32>} : memref<512xf32, #tpu.memory_space<vmem>>, vector<16xf32>,
      %swap3A_310 = arith.index_cast %mul3A_16 : i32 to index
      %swap3A_311 = tpu.vector_load %arg11[%swap3A_310] {strides = array<i32>} : memref<512xi32, #tpu.memory_space<vmem>>, vector<16xi32>,
      tpu.vector_store %arg11[%swap3A_310], %select_n3A_152 {strides = array<i32>} : memref<512xi32, #tpu.memory_space<vmem>>, vector<16xi32>,
      %swap3A_312 = arith.index_cast %mul3A_16 : i32 to index
      %swap3A_313 = tpu.vector_load %arg12[%swap3A_312] {strides = array<i32>} : memref<512xi32, #tpu.memory_space<vmem>>, vector<16xi32>,
      tpu.vector_store %arg12[%swap3A_312], %select_n3A_298 {strides = array<i32>} : memref<512xi32, #tpu.memory_space<vmem>>, vector<16xi32>,
    }
    %scan3A_13 = arith.constant 32 : i32
    "tpu.region"() ({
      %run_scoped3A = tpu.sem_alloc : memref<!tpu.dma_semaphore, #tpu.memory_space<semaphore_mem>>
      %dma_start3A = tpu.memref_slice %arg4[%mul3A_2] : memref<16384xf32, #tpu.memory_space<hbm>> -> memref<512xf32, #tpu.memory_space<hbm>>
      %dma_start3A_14 = tpu.memref_slice %arg4[%mul3A_2] : memref<16384xf32, #tpu.memory_space<hbm>> -> memref<512xf32, #tpu.memory_space<hbm>>
      tpu.enqueue_dma source(%arg9 : memref<512xf32, #tpu.memory_space<vmem>>) target(%dma_start3A_14 : memref<512xf32, #tpu.memory_space<hbm>>) target_semaphore(%run_scoped3A : memref<!tpu.dma_semaphore, #tpu.memory_space<semaphore_mem>>)
      %dma_wait3A = tpu.memref_slice %arg4[%mul3A_2] : memref<16384xf32, #tpu.memory_space<hbm>> -> memref<512xf32, #tpu.memory_space<hbm>>
      %dma_wait3A_15 = tpu.memref_slice %arg4[%mul3A_2] : memref<16384xf32, #tpu.memory_space<hbm>> -> memref<512xf32, #tpu.memory_space<hbm>>
      tpu.wait_dma2 semaphore(%run_scoped3A : memref<!tpu.dma_semaphore, #tpu.memory_space<semaphore_mem>>) src(%arg9 : memref<512xf32, #tpu.memory_space<vmem>>) dst(%dma_wait3A_15 : memref<512xf32, #tpu.memory_space<hbm>>)
      tpu.yield
    }) : () -> ()
    "tpu.region"() ({
      %run_scoped3A = tpu.sem_alloc : memref<!tpu.dma_semaphore, #tpu.memory_space<semaphore_mem>>
      %dma_start3A = tpu.memref_slice %arg5[%mul3A_2] : memref<16384xf32, #tpu.memory_space<hbm>> -> memref<512xf32, #tpu.memory_space<hbm>>
      %dma_start3A_14 = tpu.memref_slice %arg5[%mul3A_2] : memref<16384xf32, #tpu.memory_space<hbm>> -> memref<512xf32, #tpu.memory_space<hbm>>
      tpu.enqueue_dma source(%arg10 : memref<512xf32, #tpu.memory_space<vmem>>) target(%dma_start3A_14 : memref<512xf32, #tpu.memory_space<hbm>>) target_semaphore(%run_scoped3A : memref<!tpu.dma_semaphore, #tpu.memory_space<semaphore_mem>>)
      %dma_wait3A = tpu.memref_slice %arg5[%mul3A_2] : memref<16384xf32, #tpu.memory_space<hbm>> -> memref<512xf32, #tpu.memory_space<hbm>>
      %dma_wait3A_15 = tpu.memref_slice %arg5[%mul3A_2] : memref<16384xf32, #tpu.memory_space<hbm>> -> memref<512xf32, #tpu.memory_space<hbm>>
      tpu.wait_dma2 semaphore(%run_scoped3A : memref<!tpu.dma_semaphore, #tpu.memory_space<semaphore_mem>>) src(%arg10 : memref<512xf32, #tpu.memory_space<vmem>>) dst(%dma_wait3A_15 : memref<512xf32, #tpu.memory_space<hbm>>)
      tpu.yield
    }) : () -> ()
    "tpu.region"() ({
      %run_scoped3A = tpu.sem_alloc : memref<!tpu.dma_semaphore, #tpu.memory_space<semaphore_mem>>
      %dma_start3A = tpu.memref_slice %arg6[%mul3A_2] : memref<16384xi32, #tpu.memory_space<hbm>> -> memref<512xi32, #tpu.memory_space<hbm>>
      %dma_start3A_14 = tpu.memref_slice %arg6[%mul3A_2] : memref<16384xi32, #tpu.memory_space<hbm>> -> memref<512xi32, #tpu.memory_space<hbm>>
      tpu.enqueue_dma source(%arg11 : memref<512xi32, #tpu.memory_space<vmem>>) target(%dma_start3A_14 : memref<512xi32, #tpu.memory_space<hbm>>) target_semaphore(%run_scoped3A : memref<!tpu.dma_semaphore, #tpu.memory_space<semaphore_mem>>)
      %dma_wait3A = tpu.memref_slice %arg6[%mul3A_2] : memref<16384xi32, #tpu.memory_space<hbm>> -> memref<512xi32, #tpu.memory_space<hbm>>
      %dma_wait3A_15 = tpu.memref_slice %arg6[%mul3A_2] : memref<16384xi32, #tpu.memory_space<hbm>> -> memref<512xi32, #tpu.memory_space<hbm>>
      tpu.wait_dma2 semaphore(%run_scoped3A : memref<!tpu.dma_semaphore, #tpu.memory_space<semaphore_mem>>) src(%arg11 : memref<512xi32, #tpu.memory_space<vmem>>) dst(%dma_wait3A_15 : memref<512xi32, #tpu.memory_space<hbm>>)
      tpu.yield
    }) : () -> ()
    "tpu.region"() ({
      %run_scoped3A = tpu.sem_alloc : memref<!tpu.dma_semaphore, #tpu.memory_space<semaphore_mem>>
      %dma_start3A = tpu.memref_slice %arg7[%mul3A_2] : memref<16384xi32, #tpu.memory_space<hbm>> -> memref<512xi32, #tpu.memory_space<hbm>>
      %dma_start3A_14 = tpu.memref_slice %arg7[%mul3A_2] : memref<16384xi32, #tpu.memory_space<hbm>> -> memref<512xi32, #tpu.memory_space<hbm>>
      tpu.enqueue_dma source(%arg12 : memref<512xi32, #tpu.memory_space<vmem>>) target(%dma_start3A_14 : memref<512xi32, #tpu.memory_space<hbm>>) target_semaphore(%run_scoped3A : memref<!tpu.dma_semaphore, #tpu.memory_space<semaphore_mem>>)
      %dma_wait3A = tpu.memref_slice %arg7[%mul3A_2] : memref<16384xi32, #tpu.memory_space<hbm>> -> memref<512xi32, #tpu.memory_space<hbm>>
      %dma_wait3A_15 = tpu.memref_slice %arg7[%mul3A_2] : memref<16384xi32, #tpu.memory_space<hbm>> -> memref<512xi32, #tpu.memory_space<hbm>>
      tpu.wait_dma2 semaphore(%run_scoped3A : memref<!tpu.dma_semaphore, #tpu.memory_space<semaphore_mem>>) src(%arg12 : memref<512xi32, #tpu.memory_space<vmem>>) dst(%dma_wait3A_15 : memref<512xi32, #tpu.memory_space<hbm>>)
      tpu.yield
    }) : () -> ()
    return
  }
}

module attributes {stable_mosaic.version = 14 : i64} {
  func.func @_logits_body(%arg0: i32, %arg1: memref<512x2048xf32, #tpu.memory_space<vmem>>, %arg2: memref<16384x2048xf32, #tpu.memory_space<any>>, %arg3: memref<2048x16xf32, #tpu.memory_space<vmem>>, %arg4: memref<16x512xf32, #tpu.memory_space<vmem>>, %arg5: memref<16x8192xf32, #tpu.memory_space<vmem>>, %arg6: memref<512x2048xf32, #tpu.memory_space<vmem>>, %arg7: memref<512x2048xf32, #tpu.memory_space<vmem>>, %arg8: memref<512x2048xf32, #tpu.memory_space<vmem>>, %arg9: memref<512x2048xf32, #tpu.memory_space<vmem>>, %arg10: memref<4x!tpu.dma_semaphore, #tpu.memory_space<semaphore_mem>>) attributes {dimension_semantics = [#tpu.dimension_semantics<arbitrary>], iteration_bounds = array<i64: 16>, scalar_prefetch = 0 : i64, scratch_operands = 5 : i64, tpu.core_type = #tpu.core_type<tc>, window_params = [{transform_indices = @transform_0, window_bounds = array<i64: 512, 2048>}, {}, {pipeline_mode = #tpu.pipeline_mode<synchronous>, transform_indices = @transform_2, window_bounds = array<i64: 2048, 16>}, {transform_indices = @transform_3, window_bounds = array<i64: 16, 512>}, {pipeline_mode = #tpu.pipeline_mode<synchronous>, transform_indices = @transform_4, window_bounds = array<i64: 16, 8192>}]} {
    %get3A = arith.constant 0 : index
    %get3A_0 = arith.constant 0 : index
    %get3A_1 = vector.load %arg3[%get3A, %get3A_0] : memref<2048x16xf32, #tpu.memory_space<vmem>>, vector<2048x16xf32>
    %convert_element_type3A = arith.truncf %get3A_1 : vector<2048x16xf32> to vector<2048x16xbf16>
    %eq3A = arith.constant 0 : i32
    %eq3A_2 = arith.cmpi eq, %arg0, %eq3A : i32
    %convert_element_type3A_3 = arith.extui %eq3A_2 : i1 to i32
    %cond3A = arith.constant 0 : i32
    %cond3A_4 = arith.cmpi ne, %convert_element_type3A_3, %cond3A : i32
    scf.if %cond3A_4 {
      %dma_start3A = arith.constant 0 : i32
      %dma_start3A_39 = tpu.memref_slice %arg10[%dma_start3A] : memref<4x!tpu.dma_semaphore, #tpu.memory_space<semaphore_mem>> -> memref<1x!tpu.dma_semaphore, #tpu.memory_space<semaphore_mem>>
      %dma_start3A_40 = tpu.memref_squeeze %dma_start3A_39 : memref<1x!tpu.dma_semaphore, #tpu.memory_space<semaphore_mem>> -> memref<!tpu.dma_semaphore, #tpu.memory_space<semaphore_mem>>
      %dma_start3A_41 = arith.constant 8192 : i32
      %dma_start3A_42 = arith.constant 0 : i32
      %dma_start3A_43 = tpu.memref_slice %arg2[%dma_start3A_41, %dma_start3A_42] : memref<16384x2048xf32, #tpu.memory_space<any>> -> memref<512x2048xf32, #tpu.memory_space<any>>
      tpu.enqueue_dma source(%dma_start3A_43 : memref<512x2048xf32, #tpu.memory_space<any>>) target(%arg6 : memref<512x2048xf32, #tpu.memory_space<vmem>>) target_semaphore(%dma_start3A_40 : memref<!tpu.dma_semaphore, #tpu.memory_space<semaphore_mem>>)
      %dma_start3A_44 = arith.constant 1 : i32
      %dma_start3A_45 = tpu.memref_slice %arg10[%dma_start3A_44] : memref<4x!tpu.dma_semaphore, #tpu.memory_space<semaphore_mem>> -> memref<1x!tpu.dma_semaphore, #tpu.memory_space<semaphore_mem>>
      %dma_start3A_46 = tpu.memref_squeeze %dma_start3A_45 : memref<1x!tpu.dma_semaphore, #tpu.memory_space<semaphore_mem>> -> memref<!tpu.dma_semaphore, #tpu.memory_space<semaphore_mem>>
      %dma_start3A_47 = arith.constant 8704 : i32
      %dma_start3A_48 = arith.constant 0 : i32
      %dma_start3A_49 = tpu.memref_slice %arg2[%dma_start3A_47, %dma_start3A_48] : memref<16384x2048xf32, #tpu.memory_space<any>> -> memref<512x2048xf32, #tpu.memory_space<any>>
      tpu.enqueue_dma source(%dma_start3A_49 : memref<512x2048xf32, #tpu.memory_space<any>>) target(%arg7 : memref<512x2048xf32, #tpu.memory_space<vmem>>) target_semaphore(%dma_start3A_46 : memref<!tpu.dma_semaphore, #tpu.memory_space<semaphore_mem>>)
      %dma_start3A_50 = arith.constant 2 : i32
      %dma_start3A_51 = tpu.memref_slice %arg10[%dma_start3A_50] : memref<4x!tpu.dma_semaphore, #tpu.memory_space<semaphore_mem>> -> memref<1x!tpu.dma_semaphore, #tpu.memory_space<semaphore_mem>>
      %dma_start3A_52 = tpu.memref_squeeze %dma_start3A_51 : memref<1x!tpu.dma_semaphore, #tpu.memory_space<semaphore_mem>> -> memref<!tpu.dma_semaphore, #tpu.memory_space<semaphore_mem>>
      %dma_start3A_53 = arith.constant 9216 : i32
      %dma_start3A_54 = arith.constant 0 : i32
      %dma_start3A_55 = tpu.memref_slice %arg2[%dma_start3A_53, %dma_start3A_54] : memref<16384x2048xf32, #tpu.memory_space<any>> -> memref<512x2048xf32, #tpu.memory_space<any>>
      tpu.enqueue_dma source(%dma_start3A_55 : memref<512x2048xf32, #tpu.memory_space<any>>) target(%arg8 : memref<512x2048xf32, #tpu.memory_space<vmem>>) target_semaphore(%dma_start3A_52 : memref<!tpu.dma_semaphore, #tpu.memory_space<semaphore_mem>>)
      %dma_start3A_56 = arith.constant 3 : i32
      %dma_start3A_57 = tpu.memref_slice %arg10[%dma_start3A_56] : memref<4x!tpu.dma_semaphore, #tpu.memory_space<semaphore_mem>> -> memref<1x!tpu.dma_semaphore, #tpu.memory_space<semaphore_mem>>
      %dma_start3A_58 = tpu.memref_squeeze %dma_start3A_57 : memref<1x!tpu.dma_semaphore, #tpu.memory_space<semaphore_mem>> -> memref<!tpu.dma_semaphore, #tpu.memory_space<semaphore_mem>>
      %dma_start3A_59 = arith.constant 9728 : i32
      %dma_start3A_60 = arith.constant 0 : i32
      %dma_start3A_61 = tpu.memref_slice %arg2[%dma_start3A_59, %dma_start3A_60] : memref<16384x2048xf32, #tpu.memory_space<any>> -> memref<512x2048xf32, #tpu.memory_space<any>>
      tpu.enqueue_dma source(%dma_start3A_61 : memref<512x2048xf32, #tpu.memory_space<any>>) target(%arg9 : memref<512x2048xf32, #tpu.memory_space<vmem>>) target_semaphore(%dma_start3A_58 : memref<!tpu.dma_semaphore, #tpu.memory_space<semaphore_mem>>)
    } else {
    }
    %get3A_5 = arith.constant 0 : index
    %get3A_6 = arith.constant 0 : index
    %get3A_7 = vector.load %arg1[%get3A_5, %get3A_6] : memref<512x2048xf32, #tpu.memory_space<vmem>>, vector<512x2048xf32>
    %convert_element_type3A_8 = arith.truncf %get3A_7 : vector<512x2048xf32> to vector<512x2048xbf16>
    %dot_general3A = arith.constant dense<0.000000e+00> : vector<512x16xf32>
    %dot_general3A_9 = tpu.matmul %convert_element_type3A_8, %convert_element_type3A, %dot_general3A {dimension_numbers = #tpu.dot_dimension_numbers<[1], [0], [0], [1], [0, 0, 1, 1], [], []>, transpose_lhs_hint = false} : vector<512x2048xbf16>, vector<2048x16xbf16>, vector<512x16xf32> -> vector<512x16xf32>
    %transpose3A = tpu.transpose %dot_general3A_9, [1, 0] : vector<512x16xf32> -> vector<16x512xf32>
    %swap3A = arith.constant 0 : index
    %swap3A_10 = arith.constant 0 : index
    %swap3A_11 = vector.load %arg4[%swap3A, %swap3A_10] : memref<16x512xf32, #tpu.memory_space<vmem>>, vector<16x512xf32>
    tpu.vector_store %arg4[%swap3A, %swap3A_10], %transpose3A {strides = array<i32>} : memref<16x512xf32, #tpu.memory_space<vmem>>, vector<16x512xf32>,
    %rem3A = arith.constant 4 : i32
    %rem3A_12 = arith.remsi %arg0, %rem3A : i32
    %eq3A_13 = arith.constant 0 : i32
    %eq3A_14 = arith.cmpi eq, %rem3A_12, %eq3A_13 : i32
    %convert_element_type3A_15 = arith.extui %eq3A_14 : i1 to i32
    %cond3A_16 = arith.constant 0 : i32
    %cond3A_17 = arith.cmpi ne, %convert_element_type3A_15, %cond3A_16 : i32
    scf.if %cond3A_17 {
      %mul3A = arith.constant 512 : i32
      %mul3A_39 = arith.muli %arg0, %mul3A : i32
      %add3A = arith.constant 8192 : i32
      %add3A_40 = arith.addi %add3A, %mul3A_39 : i32
      %dma_wait3A = arith.constant 0 : i32
      %dma_wait3A_41 = tpu.memref_slice %arg10[%dma_wait3A] : memref<4x!tpu.dma_semaphore, #tpu.memory_space<semaphore_mem>> -> memref<1x!tpu.dma_semaphore, #tpu.memory_space<semaphore_mem>>
      %dma_wait3A_42 = tpu.memref_squeeze %dma_wait3A_41 : memref<1x!tpu.dma_semaphore, #tpu.memory_space<semaphore_mem>> -> memref<!tpu.dma_semaphore, #tpu.memory_space<semaphore_mem>>
      %dma_wait3A_43 = arith.constant 0 : i32
      %dma_wait3A_44 = tpu.memref_slice %arg2[%add3A_40, %dma_wait3A_43] : memref<16384x2048xf32, #tpu.memory_space<any>> -> memref<512x2048xf32, #tpu.memory_space<any>>
      tpu.wait_dma2 semaphore(%dma_wait3A_42 : memref<!tpu.dma_semaphore, #tpu.memory_space<semaphore_mem>>) src(%dma_wait3A_44 : memref<512x2048xf32, #tpu.memory_space<any>>) dst(%arg6 : memref<512x2048xf32, #tpu.memory_space<vmem>>)
      %get3A_45 = arith.constant 0 : index
      %get3A_46 = arith.constant 0 : index
      %get3A_47 = vector.load %arg6[%get3A_45, %get3A_46] : memref<512x2048xf32, #tpu.memory_space<vmem>>, vector<512x2048xf32>
      %convert_element_type3A_48 = arith.truncf %get3A_47 : vector<512x2048xf32> to vector<512x2048xbf16>
      %dot_general3A_49 = arith.constant dense<0.000000e+00> : vector<512x16xf32>
      %dot_general3A_50 = tpu.matmul %convert_element_type3A_48, %convert_element_type3A, %dot_general3A_49 {dimension_numbers = #tpu.dot_dimension_numbers<[1], [0], [0], [1], [0, 0, 1, 1], [], []>, transpose_lhs_hint = false} : vector<512x2048xbf16>, vector<2048x16xbf16>, vector<512x16xf32> -> vector<512x16xf32>
      %transpose3A_51 = tpu.transpose %dot_general3A_50, [1, 0] : vector<512x16xf32> -> vector<16x512xf32>
      %mul3A_52 = arith.constant 512 : i32
      %mul3A_53 = arith.muli %arg0, %mul3A_52 : i32
      %swap3A_54 = arith.constant 0 : index
      %swap3A_55 = arith.index_cast %mul3A_53 : i32 to index
      %swap3A_56 = vector.load %arg5[%swap3A_54, %swap3A_55] : memref<16x8192xf32, #tpu.memory_space<vmem>>, vector<16x512xf32>
      tpu.vector_store %arg5[%swap3A_54, %swap3A_55], %transpose3A_51 {strides = array<i32>} : memref<16x8192xf32, #tpu.memory_space<vmem>>, vector<16x512xf32>,
      %add3A_57 = arith.constant 4 : i32
      %add3A_58 = arith.addi %arg0, %add3A_57 : i32
      %lt3A = arith.constant 16 : i32
      %lt3A_59 = arith.cmpi slt, %add3A_58, %lt3A : i32
      %convert_element_type3A_60 = arith.extui %lt3A_59 : i1 to i32
      %cond3A_61 = arith.constant 0 : i32
      %cond3A_62 = arith.cmpi ne, %convert_element_type3A_60, %cond3A_61 : i32
      scf.if %cond3A_62 {
        %add3A_63 = arith.constant 4 : i32
        %add3A_64 = arith.addi %arg0, %add3A_63 : i32
        %mul3A_65 = arith.constant 512 : i32
        %mul3A_66 = arith.muli %add3A_64, %mul3A_65 : i32
        %add3A_67 = arith.constant 8192 : i32
        %add3A_68 = arith.addi %add3A_67, %mul3A_66 : i32
        %dma_start3A = arith.constant 0 : i32
        %dma_start3A_69 = tpu.memref_slice %arg10[%dma_start3A] : memref<4x!tpu.dma_semaphore, #tpu.memory_space<semaphore_mem>> -> memref<1x!tpu.dma_semaphore, #tpu.memory_space<semaphore_mem>>
        %dma_start3A_70 = tpu.memref_squeeze %dma_start3A_69 : memref<1x!tpu.dma_semaphore, #tpu.memory_space<semaphore_mem>> -> memref<!tpu.dma_semaphore, #tpu.memory_space<semaphore_mem>>
        %dma_start3A_71 = arith.constant 0 : i32
        %dma_start3A_72 = tpu.memref_slice %arg2[%add3A_68, %dma_start3A_71] : memref<16384x2048xf32, #tpu.memory_space<any>> -> memref<512x2048xf32, #tpu.memory_space<any>>
        tpu.enqueue_dma source(%dma_start3A_72 : memref<512x2048xf32, #tpu.memory_space<any>>) target(%arg6 : memref<512x2048xf32, #tpu.memory_space<vmem>>) target_semaphore(%dma_start3A_70 : memref<!tpu.dma_semaphore, #tpu.memory_space<semaphore_mem>>)
      } else {
      }
    } else {
    }
    %rem3A_18 = arith.constant 4 : i32
    %rem3A_19 = arith.remsi %arg0, %rem3A_18 : i32
    %eq3A_20 = arith.constant 1 : i32
    %eq3A_21 = arith.cmpi eq, %rem3A_19, %eq3A_20 : i32
    %convert_element_type3A_22 = arith.extui %eq3A_21 : i1 to i32
    %cond3A_23 = arith.constant 0 : i32
    %cond3A_24 = arith.cmpi ne, %convert_element_type3A_22, %cond3A_23 : i32
    scf.if %cond3A_24 {
      %mul3A = arith.constant 512 : i32
      %mul3A_39 = arith.muli %arg0, %mul3A : i32
      %add3A = arith.constant 8192 : i32
      %add3A_40 = arith.addi %add3A, %mul3A_39 : i32
      %dma_wait3A = arith.constant 1 : i32
      %dma_wait3A_41 = tpu.memref_slice %arg10[%dma_wait3A] : memref<4x!tpu.dma_semaphore, #tpu.memory_space<semaphore_mem>> -> memref<1x!tpu.dma_semaphore, #tpu.memory_space<semaphore_mem>>
      %dma_wait3A_42 = tpu.memref_squeeze %dma_wait3A_41 : memref<1x!tpu.dma_semaphore, #tpu.memory_space<semaphore_mem>> -> memref<!tpu.dma_semaphore, #tpu.memory_space<semaphore_mem>>
      %dma_wait3A_43 = arith.constant 0 : i32
      %dma_wait3A_44 = tpu.memref_slice %arg2[%add3A_40, %dma_wait3A_43] : memref<16384x2048xf32, #tpu.memory_space<any>> -> memref<512x2048xf32, #tpu.memory_space<any>>
      tpu.wait_dma2 semaphore(%dma_wait3A_42 : memref<!tpu.dma_semaphore, #tpu.memory_space<semaphore_mem>>) src(%dma_wait3A_44 : memref<512x2048xf32, #tpu.memory_space<any>>) dst(%arg7 : memref<512x2048xf32, #tpu.memory_space<vmem>>)
      %get3A_45 = arith.constant 0 : index
      %get3A_46 = arith.constant 0 : index
      %get3A_47 = vector.load %arg7[%get3A_45, %get3A_46] : memref<512x2048xf32, #tpu.memory_space<vmem>>, vector<512x2048xf32>
      %convert_element_type3A_48 = arith.truncf %get3A_47 : vector<512x2048xf32> to vector<512x2048xbf16>
      %dot_general3A_49 = arith.constant dense<0.000000e+00> : vector<512x16xf32>
      %dot_general3A_50 = tpu.matmul %convert_element_type3A_48, %convert_element_type3A, %dot_general3A_49 {dimension_numbers = #tpu.dot_dimension_numbers<[1], [0], [0], [1], [0, 0, 1, 1], [], []>, transpose_lhs_hint = false} : vector<512x2048xbf16>, vector<2048x16xbf16>, vector<512x16xf32> -> vector<512x16xf32>
      %transpose3A_51 = tpu.transpose %dot_general3A_50, [1, 0] : vector<512x16xf32> -> vector<16x512xf32>
      %mul3A_52 = arith.constant 512 : i32
      %mul3A_53 = arith.muli %arg0, %mul3A_52 : i32
      %swap3A_54 = arith.constant 0 : index
      %swap3A_55 = arith.index_cast %mul3A_53 : i32 to index
      %swap3A_56 = vector.load %arg5[%swap3A_54, %swap3A_55] : memref<16x8192xf32, #tpu.memory_space<vmem>>, vector<16x512xf32>
      tpu.vector_store %arg5[%swap3A_54, %swap3A_55], %transpose3A_51 {strides = array<i32>} : memref<16x8192xf32, #tpu.memory_space<vmem>>, vector<16x512xf32>,
      %add3A_57 = arith.constant 4 : i32
      %add3A_58 = arith.addi %arg0, %add3A_57 : i32
      %lt3A = arith.constant 16 : i32
      %lt3A_59 = arith.cmpi slt, %add3A_58, %lt3A : i32
      %convert_element_type3A_60 = arith.extui %lt3A_59 : i1 to i32
      %cond3A_61 = arith.constant 0 : i32
      %cond3A_62 = arith.cmpi ne, %convert_element_type3A_60, %cond3A_61 : i32
      scf.if %cond3A_62 {
        %add3A_63 = arith.constant 4 : i32
        %add3A_64 = arith.addi %arg0, %add3A_63 : i32
        %mul3A_65 = arith.constant 512 : i32
        %mul3A_66 = arith.muli %add3A_64, %mul3A_65 : i32
        %add3A_67 = arith.constant 8192 : i32
        %add3A_68 = arith.addi %add3A_67, %mul3A_66 : i32
        %dma_start3A = arith.constant 1 : i32
        %dma_start3A_69 = tpu.memref_slice %arg10[%dma_start3A] : memref<4x!tpu.dma_semaphore, #tpu.memory_space<semaphore_mem>> -> memref<1x!tpu.dma_semaphore, #tpu.memory_space<semaphore_mem>>
        %dma_start3A_70 = tpu.memref_squeeze %dma_start3A_69 : memref<1x!tpu.dma_semaphore, #tpu.memory_space<semaphore_mem>> -> memref<!tpu.dma_semaphore, #tpu.memory_space<semaphore_mem>>
        %dma_start3A_71 = arith.constant 0 : i32
        %dma_start3A_72 = tpu.memref_slice %arg2[%add3A_68, %dma_start3A_71] : memref<16384x2048xf32, #tpu.memory_space<any>> -> memref<512x2048xf32, #tpu.memory_space<any>>
        tpu.enqueue_dma source(%dma_start3A_72 : memref<512x2048xf32, #tpu.memory_space<any>>) target(%arg7 : memref<512x2048xf32, #tpu.memory_space<vmem>>) target_semaphore(%dma_start3A_70 : memref<!tpu.dma_semaphore, #tpu.memory_space<semaphore_mem>>)
      } else {
      }
    } else {
    }
    %rem3A_25 = arith.constant 4 : i32
    %rem3A_26 = arith.remsi %arg0, %rem3A_25 : i32
    %eq3A_27 = arith.constant 2 : i32
    %eq3A_28 = arith.cmpi eq, %rem3A_26, %eq3A_27 : i32
    %convert_element_type3A_29 = arith.extui %eq3A_28 : i1 to i32
    %cond3A_30 = arith.constant 0 : i32
    %cond3A_31 = arith.cmpi ne, %convert_element_type3A_29, %cond3A_30 : i32
    scf.if %cond3A_31 {
      %mul3A = arith.constant 512 : i32
      %mul3A_39 = arith.muli %arg0, %mul3A : i32
      %add3A = arith.constant 8192 : i32
      %add3A_40 = arith.addi %add3A, %mul3A_39 : i32
      %dma_wait3A = arith.constant 2 : i32
      %dma_wait3A_41 = tpu.memref_slice %arg10[%dma_wait3A] : memref<4x!tpu.dma_semaphore, #tpu.memory_space<semaphore_mem>> -> memref<1x!tpu.dma_semaphore, #tpu.memory_space<semaphore_mem>>
      %dma_wait3A_42 = tpu.memref_squeeze %dma_wait3A_41 : memref<1x!tpu.dma_semaphore, #tpu.memory_space<semaphore_mem>> -> memref<!tpu.dma_semaphore, #tpu.memory_space<semaphore_mem>>
      %dma_wait3A_43 = arith.constant 0 : i32
      %dma_wait3A_44 = tpu.memref_slice %arg2[%add3A_40, %dma_wait3A_43] : memref<16384x2048xf32, #tpu.memory_space<any>> -> memref<512x2048xf32, #tpu.memory_space<any>>
      tpu.wait_dma2 semaphore(%dma_wait3A_42 : memref<!tpu.dma_semaphore, #tpu.memory_space<semaphore_mem>>) src(%dma_wait3A_44 : memref<512x2048xf32, #tpu.memory_space<any>>) dst(%arg8 : memref<512x2048xf32, #tpu.memory_space<vmem>>)
      %get3A_45 = arith.constant 0 : index
      %get3A_46 = arith.constant 0 : index
      %get3A_47 = vector.load %arg8[%get3A_45, %get3A_46] : memref<512x2048xf32, #tpu.memory_space<vmem>>, vector<512x2048xf32>
      %convert_element_type3A_48 = arith.truncf %get3A_47 : vector<512x2048xf32> to vector<512x2048xbf16>
      %dot_general3A_49 = arith.constant dense<0.000000e+00> : vector<512x16xf32>
      %dot_general3A_50 = tpu.matmul %convert_element_type3A_48, %convert_element_type3A, %dot_general3A_49 {dimension_numbers = #tpu.dot_dimension_numbers<[1], [0], [0], [1], [0, 0, 1, 1], [], []>, transpose_lhs_hint = false} : vector<512x2048xbf16>, vector<2048x16xbf16>, vector<512x16xf32> -> vector<512x16xf32>
      %transpose3A_51 = tpu.transpose %dot_general3A_50, [1, 0] : vector<512x16xf32> -> vector<16x512xf32>
      %mul3A_52 = arith.constant 512 : i32
      %mul3A_53 = arith.muli %arg0, %mul3A_52 : i32
      %swap3A_54 = arith.constant 0 : index
      %swap3A_55 = arith.index_cast %mul3A_53 : i32 to index
      %swap3A_56 = vector.load %arg5[%swap3A_54, %swap3A_55] : memref<16x8192xf32, #tpu.memory_space<vmem>>, vector<16x512xf32>
      tpu.vector_store %arg5[%swap3A_54, %swap3A_55], %transpose3A_51 {strides = array<i32>} : memref<16x8192xf32, #tpu.memory_space<vmem>>, vector<16x512xf32>,
      %add3A_57 = arith.constant 4 : i32
      %add3A_58 = arith.addi %arg0, %add3A_57 : i32
      %lt3A = arith.constant 16 : i32
      %lt3A_59 = arith.cmpi slt, %add3A_58, %lt3A : i32
      %convert_element_type3A_60 = arith.extui %lt3A_59 : i1 to i32
      %cond3A_61 = arith.constant 0 : i32
      %cond3A_62 = arith.cmpi ne, %convert_element_type3A_60, %cond3A_61 : i32
      scf.if %cond3A_62 {
        %add3A_63 = arith.constant 4 : i32
        %add3A_64 = arith.addi %arg0, %add3A_63 : i32
        %mul3A_65 = arith.constant 512 : i32
        %mul3A_66 = arith.muli %add3A_64, %mul3A_65 : i32
        %add3A_67 = arith.constant 8192 : i32
        %add3A_68 = arith.addi %add3A_67, %mul3A_66 : i32
        %dma_start3A = arith.constant 2 : i32
        %dma_start3A_69 = tpu.memref_slice %arg10[%dma_start3A] : memref<4x!tpu.dma_semaphore, #tpu.memory_space<semaphore_mem>> -> memref<1x!tpu.dma_semaphore, #tpu.memory_space<semaphore_mem>>
        %dma_start3A_70 = tpu.memref_squeeze %dma_start3A_69 : memref<1x!tpu.dma_semaphore, #tpu.memory_space<semaphore_mem>> -> memref<!tpu.dma_semaphore, #tpu.memory_space<semaphore_mem>>
        %dma_start3A_71 = arith.constant 0 : i32
        %dma_start3A_72 = tpu.memref_slice %arg2[%add3A_68, %dma_start3A_71] : memref<16384x2048xf32, #tpu.memory_space<any>> -> memref<512x2048xf32, #tpu.memory_space<any>>
        tpu.enqueue_dma source(%dma_start3A_72 : memref<512x2048xf32, #tpu.memory_space<any>>) target(%arg8 : memref<512x2048xf32, #tpu.memory_space<vmem>>) target_semaphore(%dma_start3A_70 : memref<!tpu.dma_semaphore, #tpu.memory_space<semaphore_mem>>)
      } else {
      }
    } else {
    }
    %rem3A_32 = arith.constant 4 : i32
    %rem3A_33 = arith.remsi %arg0, %rem3A_32 : i32
    %eq3A_34 = arith.constant 3 : i32
    %eq3A_35 = arith.cmpi eq, %rem3A_33, %eq3A_34 : i32
    %convert_element_type3A_36 = arith.extui %eq3A_35 : i1 to i32
    %cond3A_37 = arith.constant 0 : i32
    %cond3A_38 = arith.cmpi ne, %convert_element_type3A_36, %cond3A_37 : i32
    scf.if %cond3A_38 {
      %mul3A = arith.constant 512 : i32
      %mul3A_39 = arith.muli %arg0, %mul3A : i32
      %add3A = arith.constant 8192 : i32
      %add3A_40 = arith.addi %add3A, %mul3A_39 : i32
      %dma_wait3A = arith.constant 3 : i32
      %dma_wait3A_41 = tpu.memref_slice %arg10[%dma_wait3A] : memref<4x!tpu.dma_semaphore, #tpu.memory_space<semaphore_mem>> -> memref<1x!tpu.dma_semaphore, #tpu.memory_space<semaphore_mem>>
      %dma_wait3A_42 = tpu.memref_squeeze %dma_wait3A_41 : memref<1x!tpu.dma_semaphore, #tpu.memory_space<semaphore_mem>> -> memref<!tpu.dma_semaphore, #tpu.memory_space<semaphore_mem>>
      %dma_wait3A_43 = arith.constant 0 : i32
      %dma_wait3A_44 = tpu.memref_slice %arg2[%add3A_40, %dma_wait3A_43] : memref<16384x2048xf32, #tpu.memory_space<any>> -> memref<512x2048xf32, #tpu.memory_space<any>>
      tpu.wait_dma2 semaphore(%dma_wait3A_42 : memref<!tpu.dma_semaphore, #tpu.memory_space<semaphore_mem>>) src(%dma_wait3A_44 : memref<512x2048xf32, #tpu.memory_space<any>>) dst(%arg9 : memref<512x2048xf32, #tpu.memory_space<vmem>>)
      %get3A_45 = arith.constant 0 : index
      %get3A_46 = arith.constant 0 : index
      %get3A_47 = vector.load %arg9[%get3A_45, %get3A_46] : memref<512x2048xf32, #tpu.memory_space<vmem>>, vector<512x2048xf32>
      %convert_element_type3A_48 = arith.truncf %get3A_47 : vector<512x2048xf32> to vector<512x2048xbf16>
      %dot_general3A_49 = arith.constant dense<0.000000e+00> : vector<512x16xf32>
      %dot_general3A_50 = tpu.matmul %convert_element_type3A_48, %convert_element_type3A, %dot_general3A_49 {dimension_numbers = #tpu.dot_dimension_numbers<[1], [0], [0], [1], [0, 0, 1, 1], [], []>, transpose_lhs_hint = false} : vector<512x2048xbf16>, vector<2048x16xbf16>, vector<512x16xf32> -> vector<512x16xf32>
      %transpose3A_51 = tpu.transpose %dot_general3A_50, [1, 0] : vector<512x16xf32> -> vector<16x512xf32>
      %mul3A_52 = arith.constant 512 : i32
      %mul3A_53 = arith.muli %arg0, %mul3A_52 : i32
      %swap3A_54 = arith.constant 0 : index
      %swap3A_55 = arith.index_cast %mul3A_53 : i32 to index
      %swap3A_56 = vector.load %arg5[%swap3A_54, %swap3A_55] : memref<16x8192xf32, #tpu.memory_space<vmem>>, vector<16x512xf32>
      tpu.vector_store %arg5[%swap3A_54, %swap3A_55], %transpose3A_51 {strides = array<i32>} : memref<16x8192xf32, #tpu.memory_space<vmem>>, vector<16x512xf32>,
      %add3A_57 = arith.constant 4 : i32
      %add3A_58 = arith.addi %arg0, %add3A_57 : i32
      %lt3A = arith.constant 16 : i32
      %lt3A_59 = arith.cmpi slt, %add3A_58, %lt3A : i32
      %convert_element_type3A_60 = arith.extui %lt3A_59 : i1 to i32
      %cond3A_61 = arith.constant 0 : i32
      %cond3A_62 = arith.cmpi ne, %convert_element_type3A_60, %cond3A_61 : i32
      scf.if %cond3A_62 {
        %add3A_63 = arith.constant 4 : i32
        %add3A_64 = arith.addi %arg0, %add3A_63 : i32
        %mul3A_65 = arith.constant 512 : i32
        %mul3A_66 = arith.muli %add3A_64, %mul3A_65 : i32
        %add3A_67 = arith.constant 8192 : i32
        %add3A_68 = arith.addi %add3A_67, %mul3A_66 : i32
        %dma_start3A = arith.constant 3 : i32
        %dma_start3A_69 = tpu.memref_slice %arg10[%dma_start3A] : memref<4x!tpu.dma_semaphore, #tpu.memory_space<semaphore_mem>> -> memref<1x!tpu.dma_semaphore, #tpu.memory_space<semaphore_mem>>
        %dma_start3A_70 = tpu.memref_squeeze %dma_start3A_69 : memref<1x!tpu.dma_semaphore, #tpu.memory_space<semaphore_mem>> -> memref<!tpu.dma_semaphore, #tpu.memory_space<semaphore_mem>>
        %dma_start3A_71 = arith.constant 0 : i32
        %dma_start3A_72 = tpu.memref_slice %arg2[%add3A_68, %dma_start3A_71] : memref<16384x2048xf32, #tpu.memory_space<any>> -> memref<512x2048xf32, #tpu.memory_space<any>>
        tpu.enqueue_dma source(%dma_start3A_72 : memref<512x2048xf32, #tpu.memory_space<any>>) target(%arg9 : memref<512x2048xf32, #tpu.memory_space<vmem>>) target_semaphore(%dma_start3A_70 : memref<!tpu.dma_semaphore, #tpu.memory_space<semaphore_mem>>)
      } else {
      }
    } else {
    }
    return
  }
  func.func @transform_0(%arg0: i32) -> (i32, i32) {
    %c0_i32 = arith.constant 0 : i32
    %c0_i32_0 = arith.constant 0 : i32
    return %arg0, %c0_i32 : i32, i32
  }
  func.func @transform_2(%arg0: i32) -> (i32, i32) {
    %c0_i32 = arith.constant 0 : i32
    %c0_i32_0 = arith.constant 0 : i32
    %c0_i32_1 = arith.constant 0 : i32
    return %c0_i32, %c0_i32_0 : i32, i32
  }
  func.func @transform_3(%arg0: i32) -> (i32, i32) {
    %c0_i32 = arith.constant 0 : i32
    %c0_i32_0 = arith.constant 0 : i32
    return %c0_i32, %arg0 : i32, i32
  }
  func.func @transform_4(%arg0: i32) -> (i32, i32) {
    %c0_i32 = arith.constant 0 : i32
    %c0_i32_0 = arith.constant 0 : i32
    %c0_i32_1 = arith.constant 0 : i32
    return %c0_i32, %c0_i32_0 : i32, i32
  }
}

</mosaic_0001>

<sc_bundles>
// kernel: kernel.4.cloned.1.call-start
scs
__scs_entry_jumppad:
0x0: {  	(pc) =	sbr.rel $0x88, $3  }
0x1: {  	(tag) =	ssettag $0x0;
	lr =	simm.s32 $0x1  }
0x2: {  	[smem:$0x3F9F] =	sst lr;
	_ =	strace $0xD0000000  }
0x3: {  	_ = 	snop  }
0x4: {  	_ = 	snop  }
0x5: {  	_ = 	snop  }
0x6: {  	_ = 	snop  }
0x7: {  	_ = 	snop  }
__scs_overlays_trampoline_lowered:
0x8: {  	[smem:$0x3FAE] =	sst s0  }
0x9: {  	[smem:$0x3FAF] =	sst s1  }
0xa: {  	[smem:$0x3FB0] =	sst s2  }
0xb: {  	[smem:$0x3FB1] =	sst s3  }
0xc: {  	[smem:$0x3FB2] =	sst s4  }
0xd: {  	[smem:$0x3FB3] =	sst s5  }
0xe: {  	[smem:$0x3FB4] =	sst s6  }
0xf: {  	[smem:$0x3FB5] =	sst s7  }
0x10: {  	[smem:$0x3FB6] =	sst s8  }
0x11: {  	[smem:$0x3FB7] =	sst s9;
	s0 =	simm.s32 @!p0 $0x0  }
0x12: {  	s1 =	sld [smem:$0x3F9D];
	s0 =	simm.s32 @p0 $0x1  }
0x13: {  	[smem:$0x3FB8] =	sst s0;
	s0 =	simm.s32 @!p1 $0x0  }
0x14: {  	s2 =	sld [smem:$0x3F9C];
	s0 =	simm.s32 @p1 $0x1  }
0x15: {  	[smem:$0x3FB9] =	sst s0;
	s0 =	simm.s32 @!p2 $0x0  }
0x16: {  	s3 =	sld [smem:$0x3FDB];
	s0 =	simm.s32 @p2 $0x1  }
0x17: {  	s4 =	simm.s32 $0x1BF5;
	[smem:$0x3FBB] =	sst s0  }
0x18: {  	s0 =	sld [smem:$0x3F9E];
	_ =	swait.ge [sflag:s4], $0x0  }
0x19: {  	s7 =	sld [smem:$0x3F9F]  }
0x1a: {  	s8 =	sadd.s32 $0xFFFFE003, lr  }
0x1b: {  	s9 =	sadd.s32 $0xFFFFFEF7, lr;
	s5 =	simm.s32 $0xFFFFFFFF;
	p2 =	slt.u32 s8, $0xFFFFF086  }
0x1c: {  	p1 =	slt.u32 s9, $0xF7A;
	s5 =	simm.s32 @!p2 $0x0  }
0x1d: {  	s5 =	simm.s32 @p1 $0x1;
	p0 =	seq.s32 s7, s2  }
0x1e: {  	s7 =	smul.u32 @!p0 $0xF7A, s2;
	p2 =	seq.s32 @!p0 s5, $0x0  }
0x1f: {  	s9 =	smul.u32 $0xF7A, s1;
	s8 =	simm.s32 @!p0 $0x1BF5;
	p2 =	por !p2, p0  }
0x20: {  	[sflag:s8] =	ssyncset.s32 @!p0 $0xFFFFF086;
	s6 =	sadd.s32 @!p0 s3, s7;
	s7 =	simm.s32 @!p0 $0x108  }
0x21: {  	s3 =	sadd.s32 s3, s9;
	s6 =	sadd.s32 @!p0 $0x88, s6;
	s7 =	simm.s32 @p2 $0x1082  }
0x22: {  	[simem:s7], [sflag:s8] =	dma.local @!p0 [hbm:s6], $0xF7A  }
0x23: {  	s9 =	sor.u32 $0xD0000000, s2;
	s6 =	simm.s32 $0x108;
	_ =	swait.ge @!p0 [sflag:s8], $0x0  }
0x24: {  	s3 =	sadd.s32 $0x88, s3;
	s6 =	simm.s32 @!p1 $0x1082;
	[sflag:s4] =	ssyncset.s32 $0xFFFFF086  }
0x25: {  	[simem:s6], [sflag:s4] =	dma.local [hbm:s3], $0xF7A  }
0x26: {  	[smem:$0x3F9F] =	sst s1;
	(tag) =	ssettag s2;
	_ =	strace s9  }
0x27: {  	s1 =	sld [smem:$0x3FAF]  }
0x28: {  	s2 =	sld [smem:$0x3FB0]  }
0x29: {  	s4 =	sld [smem:$0x3FB2]  }
0x2a: {  	p0 =	seq.s32 s5, $0x0;
	s5 =	sld [smem:$0x3FB3]  }
0x2b: {  	s6 =	sld [smem:$0x3FB4]  }
0x2c: {  	s7 =	sld [smem:$0x3FB5]  }
0x2d: {  	s3 =	simm.s32 $0x108;
	s8 =	sld [smem:$0x3FB6]  }
0x2e: {  	s3 =	simm.s32 @!p0 $0x1082;
	s9 =	sld [smem:$0x3FB7]  }
0x2f: {  	lr =	sadd.s32 s0, s3;
	s0 =	sld [smem:$0x3FAE]  }
0x30: {  	s3 =	sld [smem:$0x3FB1]  }
0x31: {  	[smem:$0x3FBA] =	sst s10  }
0x32: {  	s10 =	sld [smem:$0x3FB8];
	_ =	sdelay $0x3  }
0x33: {  	p0 =	seq.s32 s10, $0x1;
	s10 =	sld [smem:$0x3FBA];
	_ =	sdelay $0x3  }
0x34: {  	[smem:$0x3FBA] =	sst s10  }
0x35: {  	s10 =	sld [smem:$0x3FB9];
	_ =	sdelay $0x3  }
0x36: {  	p1 =	seq.s32 s10, $0x1;
	s10 =	sld [smem:$0x3FBA];
	_ =	sdelay $0x3  }
0x37: {  	[smem:$0x3FBA] =	sst s10  }
0x38: {  	s10 =	sld [smem:$0x3FBB]  }
0x39: {  	_ = 	snop;
	(pc) =	sbr.ind lr, $3  }
0x3a: {  	_ = 	snop  }
0x3b: {  	_ = 	snop  }
0x3c: {  	p2 =	seq.s32 s10, $0x1;
	s10 =	sld [smem:$0x3FBA]  }
0x3d: {  	_ =	shalt  }
0x3e: {  	_ =	shalt  }
0x3f: {  	_ =	shalt  }
0x40: {  	_ =	shalt  }
0x41: {  	_ =	shalt  }
0x42: {  	_ =	shalt  }
0x43: {  	_ =	shalt  }
0x44: {  	_ =	shalt  }
0x45: {  	_ =	shalt  }
0x46: {  	_ =	shalt  }
0x47: {  	_ =	shalt  }
0x48: {  	_ =	shalt  }
0x49: {  	_ =	shalt  }
0x4a: {  	_ =	shalt  }
0x4b: {  	_ =	shalt  }
0x4c: {  	_ =	shalt  }
0x4d: {  	_ =	shalt  }
0x4e: {  	_ =	shalt  }
0x4f: {  	_ =	shalt  }
0x50: {  	_ =	shalt  }
0x51: {  	_ =	shalt  }
0x52: {  	_ =	shalt  }
0x53: {  	_ =	shalt  }
0x54: {  	_ =	shalt  }
0x55: {  	_ =	shalt  }
0x56: {  	_ =	shalt  }
0x57: {  	_ =	shalt  }
0x58: {  	_ =	shalt  }
0x59: {  	_ =	shalt  }
0x5a: {  	_ =	shalt  }
0x5b: {  	_ =	shalt  }
0x5c: {  	_ =	shalt  }
0x5d: {  	_ =	shalt  }
0x5e: {  	_ =	shalt  }
0x5f: {  	_ =	shalt  }
0x60: {  	_ =	shalt  }
0x61: {  	_ =	shalt  }
0x62: {  	_ =	shalt  }
0x63: {  	_ =	shalt  }
0x64: {  	_ =	shalt  }
0x65: {  	_ =	shalt  }
0x66: {  	_ =	shalt  }
0x67: {  	_ =	shalt  }
0x68: {  	_ =	shalt  }
0x69: {  	_ =	shalt  }
0x6a: {  	_ =	shalt  }
0x6b: {  	_ =	shalt  }
0x6c: {  	_ =	shalt  }
0x6d: {  	_ =	shalt  }
0x6e: {  	_ =	shalt  }
0x6f: {  	_ =	shalt  }
0x70: {  	_ =	shalt  }
0x71: {  	_ =	shalt  }
0x72: {  	_ =	shalt  }
0x73: {  	_ =	shalt  }
0x74: {  	_ =	shalt  }
0x75: {  	_ =	shalt  }
0x76: {  	_ =	shalt  }
0x77: {  	_ =	shalt  }
0x78: {  	_ =	shalt  }
0x79: {  	_ =	shalt  }
0x7a: {  	_ =	shalt  }
0x7b: {  	_ =	shalt  }
0x7c: {  	_ =	shalt  }
0x7d: {  	_ =	shalt  }
0x7e: {  	_ =	shalt  }
0x7f: {  	_ =	shalt  }
0x80: {  	_ =	shalt  }
0x81: {  	_ =	shalt  }
0x82: {  	_ =	shalt  }
0x83: {  	_ =	shalt  }
0x84: {  	_ =	shalt  }
0x85: {  	_ =	shalt  }
0x86: {  	_ =	shalt  }
0x87: {  	_ =	shalt  }
.Lfunc_end0:
.L_simem_size_0:
called_computation_lowered:
.L_overlay_start_0:
0x88: {  	s2 =	sld [smem:$0x3FD9]  }
0x89: {  	s3 =	sld [smem:$0x3FFE];
	_ =	sdelay $0x1  }
0x8a: {  	s1 =	srdreg.scid  }
0x8b: {  	s0 =	sand.u32 $0x1, s1  }
0x8c: {  	s14 =	sshll.u32 s0, $0xA;
	s2 =	sadd.s32 s3, s2  }
0x8d: {  	s2 =	sadd.s32 s2, s14  }
0x8e: {  	[smem:$0x3FC6] =	sst s2  }
0x8f: {  	_ = 	snop  }
0x90: {  	s2 =	sld [smem:$0x3FD0];
	_ =	sdelay $0x2  }
0x91: {  	s15 =	simm.s32 $0xA;
	s4 =	simm.s32 $0x10  }
0x92: {  	[smem:s4], [sflag:s15] =	dma.local [hbm:s2], $0x1  }
0x93: {  	_ =	swait.eq [sflag:s15], $0x1  }
0x94: {  	[sflag:s15] =	ssyncset.done $0x0  }
0x95: {  	[sflag:s15] =	ssyncadd.s32 $0xFFFFFFFF  }
0x96: {  	s16 =	sld [smem:$0x11];
	(tm) =	ssettm $0x1  }
0x97: {  	s17 =	sld [smem:$0x3FFB];
	_ =	sdelay $0x3  }
0x98: {  	_ =	strace s17  }
0x99: {  	s3 =	sld [smem:$0x3FFC];
	_ =	sdelay $0x3  }
0x9a: {  	_ =	strace s3  }
0x9b: {  	s3 =	sld [smem:$0x3FFD];
	_ =	sdelay $0x3  }
0x9c: {  	_ =	strace s3  }
0x9d: {  	_ =	strace $0x8FFFFFFF  }
0x9e: {  	s18 =	sld [smem:$0x3FDB];
	_ =	sdelay $0x1  }
0x9f: {  	s19 =	simm.s32 $_scs_section_size  }
0xa0: {  	s5 =	simm.s32 $_size__tile_overlayer_lowered;
	s6 =	simm.s32 $_tile_overlayer_lowered  }
0xa1: {  	s22 =	simm.s32 $0x1BFF;
	s21 =	sshll.u32 s6, $0x1;
	s3 =	sadd.s32 s19, s18  }
0xa2: {  	s7 =	simm.s32 $0x0;
	s20 =	sshll.u32 s5, $0x1;
	s5 =	sadd.s32 s21, s3  }
0xa3: {  	[timem:s7], [sflag:s22] =	dma.local [hbm:s5], s20  }
0xa4: {  	_ =	swait.ge [sflag:s22], s20  }
0xa5: {  	s4 =	ssub.s32 $0x0, s20;
	[sflag:s22] =	ssyncset.done $0x0  }
0xa6: {  	[sflag:s22] =	ssyncadd.s32 s4;
	_ =	sdelay $0x1  }
0xa7: {  	s23 =	simm.s32 $0x1B8B  }
0xa8: {  	_ =	swait.ge [sflag:s23], $0x1  }
0xa9: {  	[sflag:s23] =	ssyncset.done $0x0  }
0xaa: {  	s25 =	simm.s32 $0x1B8E;
	s24 =	sld [smem:$0x3FFE];
	[sflag:s23] =	ssyncadd.s32 $0xFFFFFFFF  }
0xab: {  	s26 =	simm.s32 $execute0_lowered;
	[smem:$0x3FD2] =	sst s25  }
0xac: {  	s5 =	sshll.u32 s26, $0x1;
	_ =	strace $0x80000046;
	[dreg:$0x1] =	wrdreg $0xFFFFFFFF  }
0xad: {  	s28 =	simm.s32 $_size_execute0_lowered;
	s3 =	sadd.s32 s3, s5;
	[dreg:$0x0] =	wrdreg $0x0  }
0xae: {  	s5 =	sshll.u32 s28, $0x1;
	[dreg:$0x2] =	wrdreg s3  }
0xaf: {  	[dreg:$0x3] =	wrdreg s5  }
0xb0: {  	[dreg:$0x4] =	wrdreg $0xC0  }
0xb1: {  	_ =	task [dreg:s7], $0x5FFFF  }
0xb2: {  	[dreg:$0x1] =	wrdreg $0xFFFFFFFF  }
0xb3: {  	[dreg:$0x0] =	wrdreg $0x60  }
0xb4: {  	[dreg:$0x2] =	wrdreg s24  }
0xb5: {  	[dreg:$0x3] =	wrdreg s16  }
0xb6: {  	[dreg:$0x4] =	wrdreg $0x9  }
0xb7: {  	_ =	task.clear_ibuf [dreg:s7], $0x5FFFF;
	_ =	strace $0x90000046  }
0xb8: {  	s29 =	simm.s32 $0x9;
	_ =	strace $0x80000048  }
0xb9: {  	_ =	swait.ge [sflag:s29], $0x1  }
0xba: {  	[sflag:s29] =	ssyncadd.s32 $0xFFFFFFFF  }
0xbb: {  	_ =	strace $0x90000048  }
0xbc: {  	_ =	sfence  }
0xbd: {  	s30 =	sld [smem:$0x0];
	_ =	sdelay $0x2  }
0xbe: {  	s31 =	sshll.u32 s1, $0xD;
	s1 =	sshrl.u32 s1, $0x2  }
0xbf: {  	s3 =	sand.u32 $0x4000, s31;
	s1 =	sadd.s32 s1, s30  }
0xc0: {  	s0 =	sor.u32 s3, s0;
	s1 =	sshll.u32 s1, $0x11  }
0xc1: {  	s0 =	sor.u32 s1, s0  }
0xc2: {  	s0 =	sadd.s32 $0x8F2B, s0  }
0xc3: {  	[sflag:s0] =	ssyncadd.remote.s32 $0x1  }
0xc4: {  	_ =	sfence.sel $0xFFFF  }
0xc5: {  	[dreg:$0x0] =	wrdreg $0xFFFFFFFF;
	(pc) =	sbr.abs _section_cstart, $3  }
0xc6: {  	[dreg:$0x1] =	wrdreg $0xFFFFFFFF  }
0xc7: {  	_ =	task.clear_ibuf [dreg:s7], $0x2FFFF;
	_ =	strace $0x9FFFFFFF  }
0xc8: {  	(tm) =	ssettm $0x7FFFFFFF  }
0xc9: {  	_ =	shalt  }
tec
execute0_lowered:
.L_overlay_start_1:
0x0: {  	(tag) =	ssettag $0x1  }
0x1: {  	s3 =	rddreg [dreg:$0x0]  }
0x2: {  	s4 =	rddreg [dreg:$0x1];
	s2 =	srdreg.scid  }
0x3: {  	s0 =	rddreg [dreg:$0x2];
	s1 =	stileid.u32  }
0x4: {  	s12 =	simm.s32 $0x2000;
	s13 =	simm.s32 $0x2200;
	s14 =	simm.s32 $0x2400  }
0x5: {  	s15 =	simm.s32 $0x2600;
	s16 =	simm.s32 $0x0;
	s5 =	sand.u32 $0x1, s2  }
0x6: {  	s2 =	simm.s32 $0x0;
	s6 =	sshll.u32 s1, $0xA;
	p0 =	slt.u32 s1, $0x8  }
0x7: {  	s7 =	sshll.u32 s5, $0x9;
	[smem:$0x7FF] =	sst s2;
	s5 =	ssub.s32 $0x2, s5  }
0x8: {  	s6 =	sor.u32 s7, s6;
	_ =	strace $0x80000047;
	s31 =	sshrl.u32 s5, $0x1  }
0x9: {  	s7 =	sadd.s32 s6, s3;
	s8 =	sadd.s32 $0x1FFFE000, s6;
	s6 =	sshrl.u32 s6, $0x3  }
0xa: {  	s10 =	ssub.s32 s5, s31;
	s8 =	sand.u32 $0x1FFFFE00, s8;
	s9 =	sadd.s32 s6, s3  }
0xb: {  	s11 =	sadd.s32 $0xE00, s7;
	s4 =	sadd.s32 s4, s6;
	s8 =	sadd.s32 s8, s3  }
0xc: {  	s5 =	sadd.s32 $0x8E00, s9;
	s6 =	sadd.s32 $0x9600, s9;
	s7 =	sadd.s32 $0x9E00, s9  }
0xd: {  	s9 =	simm.s32 $0x1000;
	s3 =	sadd.s32 $0x4E00, s8;
	s8 =	smax.u32 s10, $0x1  }
0xe: {  	v0 =	vimm.s32 $0x0;
	s10 =	simm.s32 $0x10000;
	s3 =	smov.u32 @p0 s11;
	s11 =	simm.s32 $0x1  }
.LBB2_1:
0xf: {  	[tilespmem:s2], [sflag:$0x1] =	stream.strided.gather [hbm4b:s3+s9], $0x2000, s10, s9, $0x38;
	[tilespmem:$0x2800] =	vst v63  }
0x10: {  	_ =	swait.ge [sflag:s11], $0x2000  }
0x11: {  	s17 =	sand.u32 $0x70, s2;
	s18 =	sand.u32 $0xC00, s2;
	[sflag:s11] =	ssyncset.done $0x0  }
0x12: {  	s17 =	sor.u32 s17, s18;
	[sflag:s11] =	ssyncadd.s32 $0xFFFFE000  }
0x13: {  	v2 =	vld [tilespmem:s17+$0x0]  }
0x14: {  	v3 =	vld [tilespmem:s17+$0x80];
	_ =	sdelay $0x1  }
0x15: {  	v4 =	vld [tilespmem:s17+$0x100];
	_ =	sdelay $0x1  }
0x16: {  	v5 =	vld [tilespmem:s17+$0x180]  }
0x17: {  	vm0 =	vgt.f32 v3, v2  }
0x18: {  	v6 =	vld [tilespmem:s17+$0x200];
	v1 =	vsel vm0, v3, v2  }
0x19: {  	vm1 =	vgt.f32 v4, v1  }
0x1a: {  	v7 =	vld [tilespmem:s17+$0x280];
	v1 =	vsel vm1, v4, v1  }
0x1b: {  	vm2 =	vgt.f32 v5, v1  }
0x1c: {  	v8 =	vld [tilespmem:s17+$0x300];
	v1 =	vsel vm2, v5, v1  }
0x1d: {  	vm3 =	vgt.f32 v6, v1  }
0x1e: {  	v9 =	vld [tilespmem:s17+$0x380];
	v1 =	vsel vm3, v6, v1  }
0x1f: {  	vm4 =	vgt.f32 v7, v1  }
0x20: {  	v10 =	vld [tilespmem:s17+$0x1000];
	v1 =	vsel vm4, v7, v1  }
0x21: {  	vm5 =	vgt.f32 v8, v1  }
0x22: {  	v11 =	vld [tilespmem:s17+$0x1080];
	v1 =	vsel vm5, v8, v1  }
0x23: {  	vm6 =	vgt.f32 v9, v1  }
0x24: {  	v12 =	vld [tilespmem:s17+$0x1100];
	v1 =	vsel vm6, v9, v1  }
0x25: {  	vm7 =	vgt.f32 v10, v1  }
0x26: {  	v13 =	vld [tilespmem:s17+$0x1180];
	v14 =	vsel vm0, $0x1, v0;
	v1 =	vsel vm7, v10, v1  }
0x27: {  	v14 =	vsel vm1, $0x2, v14;
	vm10 =	vgt.f32 v11, v1  }
0x28: {  	v15 =	vld [tilespmem:s17+$0x1200];
	v14 =	vsel vm2, $0x3, v14;
	v1 =	vsel vm10, v11, v1  }
0x29: {  	v14 =	vsel vm3, $0x4, v14;
	vm11 =	vgt.f32 v12, v1  }
0x2a: {  	v16 =	vld [tilespmem:s17+$0x1280];
	v14 =	vsel vm4, $0x5, v14;
	v1 =	vsel vm11, v12, v1  }
0x2b: {  	v14 =	vsel vm5, $0x6, v14;
	vm12 =	vgt.f32 v13, v1  }
0x2c: {  	v17 =	vld [tilespmem:s17+$0x1300];
	v14 =	vsel vm6, $0x7, v14;
	v1 =	vsel vm12, v13, v1  }
0x2d: {  	v14 =	vsel vm7, $0x8, v14;
	vm13 =	vgt.f32 v15, v1  }
0x2e: {  	v18 =	vld [tilespmem:s17+$0x1380];
	v14 =	vsel vm10, $0x9, v14;
	v1 =	vsel vm13, v15, v1  }
0x2f: {  	v14 =	vsel vm11, $0xA, v14;
	vm14 =	vgt.f32 v16, v1  }
0x30: {  	v14 =	vsel vm12, $0xB, v14;
	v1 =	vsel vm14, v16, v1  }
0x31: {  	v14 =	vsel vm13, $0xC, v14;
	vm15 =	vgt.f32 v17, v1  }
0x32: {  	v14 =	vsel vm14, $0xD, v14;
	v19 =	vsel vm15, v17, v1  }
0x33: {  	v1 =	vsel vm15, $0xE, v14;
	vm4 =	vgt.f32 v18, v19  }
0x34: {  	vm5 =	vlt.f32 v2, $-Inf;
	vm6 =	vgt.f32 v2, $-Inf;
	v1 =	vsel vm4, $0xF, v1  }
0x35: {  	vm1 =	vmor vm6, vm5;
	vm7 =	vne.s32 v1, $0x0  }
0x36: {  	vm1 =	vmand vm1, vm7  }
0x37: {  	v2 =	vnsel vm1, $0xFF800000, v2  }
0x38: {  	vm8 =	vne.s32 v1, $0x1;
	vm9 =	vgt.f32 v3, v2  }
0x39: {  	vm1 =	vmand vm8, vm9  }
0x3a: {  	v2 =	vsel vm1, v3, v2  }
0x3b: {  	vm10 =	vne.s32 v1, $0x2;
	vm11 =	vgt.f32 v4, v2  }
0x3c: {  	vm2 =	vmand vm10, vm11  }
0x3d: {  	v2 =	vsel vm2, v4, v2  }
0x3e: {  	vm12 =	vne.s32 v1, $0x3;
	vm13 =	vgt.f32 v5, v2  }
0x3f: {  	vm3 =	vmand vm12, vm13  }
0x40: {  	v2 =	vsel vm3, v5, v2  }
0x41: {  	v62 =	vimm.s32 $0x0;
	vm14 =	vne.s32 v1, $0x4;
	vm15 =	vgt.f32 v6, v2  }
0x42: {  	v14 =	vsel vm4, $0xFFFFFFFF, v62;
	vm4 =	vmand vm14, vm15  }
0x43: {  	v2 =	vsel vm4, v6, v2  }
0x44: {  	vm0 =	vne.s32 v1, $0x5;
	vm9 =	vgt.f32 v7, v2  }
0x45: {  	vm5 =	vmand vm0, vm9  }
0x46: {  	v2 =	vsel vm5, v7, v2  }
0x47: {  	vm10 =	vne.s32 v1, $0x6;
	vm11 =	vgt.f32 v8, v2  }
0x48: {  	vm6 =	vmand vm10, vm11  }
0x49: {  	v2 =	vsel vm6, v8, v2  }
0x4a: {  	vm12 =	vne.s32 v1, $0x7;
	vm8 =	vgt.f32 v9, v2  }
0x4b: {  	vm7 =	vmand vm12, vm8  }
0x4c: {  	v2 =	vsel vm7, v9, v2  }
0x4d: {  	vm13 =	vne.s32 v1, $0x8;
	vm9 =	vgt.f32 v10, v2  }
0x4e: {  	vm8 =	vmand vm13, vm9  }
0x4f: {  	v2 =	vsel vm8, v10, v2  }
0x50: {  	vm14 =	vne.s32 v1, $0x9;
	vm10 =	vgt.f32 v11, v2  }
0x51: {  	vm9 =	vmand vm14, vm10  }
0x52: {  	v2 =	vsel vm9, v11, v2  }
0x53: {  	vm15 =	vne.s32 v1, $0xA;
	vm11 =	vgt.f32 v12, v2  }
0x54: {  	vm10 =	vmand vm15, vm11  }
0x55: {  	v2 =	vsel vm10, v12, v2  }
0x56: {  	vm0 =	vne.s32 v1, $0xB;
	vm12 =	vgt.f32 v13, v2  }
0x57: {  	vm11 =	vmand vm0, vm12  }
0x58: {  	v2 =	vsel vm11, v13, v2  }
0x59: {  	vm0 =	vne.s32 v1, $0xC;
	vm13 =	vgt.f32 v15, v2  }
0x5a: {  	vm12 =	vmand vm0, vm13  }
0x5b: {  	v2 =	vsel vm12, v15, v2  }
0x5c: {  	vm0 =	vne.s32 v1, $0xD;
	vm14 =	vgt.f32 v16, v2  }
0x5d: {  	[tilespmem:$0x1FFF0] =	vst v14;
	vm13 =	vmand vm0, vm14  }
0x5e: {  	v3 =	vld [tilespmem:$0x1FFF0];
	v2 =	vsel vm13, v16, v2  }
0x5f: {  	vm0 =	vne.s32 v1, $0xE;
	vm15 =	vgt.f32 v17, v2  }
0x60: {  	vm14 =	vmand vm0, vm15  }
0x61: {  	v2 =	vsel vm14, v17, v2  }
0x62: {  	vm15 =	vne.s32 v1, $0xF;
	vm0 =	vgt.f32 v18, v2  }
0x63: {  	vm15 =	vmand vm15, vm0;
	vm0 =	vnez.u8 v3  }
0x64: {  	v3 =	vsel vm0, v18, v19;
	v2 =	vsel vm15, v18, v2  }
0x65: {  	v2 =	vsub.f32 v2, v3;
	_ =	sdelay $0x1  }
0x66: {  	v2 =	vmul.f32 $1.442695020e+00, v2;
	_ =	sdelay $0x1  }
0x67: {  	(erf) = vpow2.f32 v2;
	_ =	sdelay $0x8  }
0x68: {  	v2 =	vpop (erf)  }
0x69: {  	v3 =	vsel vm1, $0x1, v0;
	v2 =	vadd.f32 $1.000000000e+00, v2  }
0x6a: {  	v3 =	vsel vm2, $0x2, v3  }
0x6b: {  	v3 =	vsel vm3, $0x3, v3;
	(erf) = vrcp.f32 v2  }
0x6c: {  	v2 =	vsel vm4, $0x4, v3  }
0x6d: {  	v2 =	vsel vm5, $0x5, v2  }
0x6e: {  	v2 =	vsel vm6, $0x6, v2  }
0x6f: {  	v2 =	vsel vm7, $0x7, v2  }
0x70: {  	v2 =	vsel vm8, $0x8, v2  }
0x71: {  	v2 =	vsel vm9, $0x9, v2  }
0x72: {  	v2 =	vsel vm10, $0xA, v2  }
0x73: {  	v2 =	vsel vm11, $0xB, v2  }
0x74: {  	s31 =	simm.s32 $0x10;
	v2 =	vsel vm12, $0xC, v2;
	v3 =	vpop (erf)  }
0x75: {  	s26 =	simm.s32 $0x20;
	s22 =	simm.s32 $0x80;
	s19 =	simm.s32 $0x2010;
	v2 =	vsel vm13, $0xD, v2;
	v63 =	vsub.f32 $1.000000000e+00, v3  }
0x76: {  	s20 =	simm.s32 $0x2210;
	s23 =	simm.s32 $0x2400;
	s24 =	simm.s32 $0x2600;
	[tilespmem:s12+$0x0] =	vst v3;
	v2 =	vsel vm14, $0xE, v2  }
0x77: {  	s21 =	sand.u32 $0x70, s31;
	s18 =	simm.s32 $0x2610;
	s17 =	simm.s32 $0x2410;
	v2 =	vsel vm15, $0xF, v2;
	[tilespmem:s13+$0x0] =	vst v63  }
.LBB2_2:
0x78: {  	s28 =	sand.u32 $0x70, s26;
	[tilespmem:s23+$0x0] =	vst v1;
	s23 =	smov.u32 s26  }
0x79: {  	s29 =	sand.u32 $0xC00, s22;
	s25 =	sadd.s32 $0x10, s26;
	s23 =	smov.u32 s17  }
0x7a: {  	p0 =	sne.s32 s26, $0x1F0;
	s26 =	sor.u32 s21, s29;
	s21 =	smov.u32 s28;
	[tilespmem:s24+$0x0] =	vst v2  }
0x7b: {  	s24 =	smov.u32 s18;
	v9 =	vld [tilespmem:s26+$0x0]  }
0x7c: {  	v10 =	vld [tilespmem:s26+$0x80]  }
0x7d: {  	v11 =	vld [tilespmem:s26+$0x100];
	_ =	sdelay $0x1  }
0x7e: {  	v12 =	vld [tilespmem:s26+$0x180]  }
0x7f: {  	vm0 =	vlt.f32 v9, $-Inf;
	vm2 =	vgt.f32 v9, $-Inf  }
0x80: {  	v13 =	vld [tilespmem:s26+$0x200];
	vm1 =	vgt.f32 v10, v9;
	vm0 =	vmor vm2, vm0  }
0x81: {  	v1 =	vsel vm1, v10, v9  }
0x82: {  	v14 =	vld [tilespmem:s26+$0x280];
	vm2 =	vgt.f32 v11, v1  }
0x83: {  	v1 =	vsel vm2, v11, v1  }
0x84: {  	v15 =	vld [tilespmem:s26+$0x300];
	vm3 =	vgt.f32 v12, v1  }
0x85: {  	v1 =	vsel vm3, v12, v1  }
0x86: {  	v16 =	vld [tilespmem:s26+$0x380];
	vm4 =	vgt.f32 v13, v1  }
0x87: {  	v1 =	vsel vm4, v13, v1  }
0x88: {  	v17 =	vld [tilespmem:s26+$0x1000];
	vm5 =	vgt.f32 v14, v1  }
0x89: {  	v1 =	vsel vm5, v14, v1  }
0x8a: {  	v8 =	vld [tilespmem:s26+$0x1080];
	vm6 =	vgt.f32 v15, v1  }
0x8b: {  	v1 =	vsel vm6, v15, v1  }
0x8c: {  	v7 =	vld [tilespmem:s26+$0x1100];
	vm7 =	vgt.f32 v16, v1  }
0x8d: {  	v1 =	vsel vm7, v16, v1  }
0x8e: {  	v3 =	vsel vm1, $0x1, v0;
	v2 =	vld [tilespmem:s26+$0x1180];
	vm1 =	vgt.f32 v17, v1  }
0x8f: {  	v4 =	vsel vm2, $0x2, v3;
	v1 =	vsel vm1, v17, v1  }
0x90: {  	v4 =	vsel vm3, $0x3, v4;
	v3 =	vld [tilespmem:s26+$0x1200];
	vm2 =	vgt.f32 v8, v1  }
0x91: {  	v5 =	vsel vm4, $0x4, v4;
	v1 =	vsel vm2, v8, v1  }
0x92: {  	v5 =	vsel vm5, $0x5, v5;
	v4 =	vld [tilespmem:s26+$0x1280];
	vm3 =	vgt.f32 v7, v1  }
0x93: {  	v6 =	vsel vm6, $0x6, v5;
	v1 =	vsel vm3, v7, v1  }
0x94: {  	v6 =	vsel vm7, $0x7, v6;
	v5 =	vld [tilespmem:s26+$0x1300];
	vm4 =	vgt.f32 v2, v1  }
0x95: {  	v18 =	vsel vm1, $0x8, v6;
	v1 =	vsel vm4, v2, v1  }
0x96: {  	v18 =	vsel vm2, $0x9, v18;
	v6 =	vld [tilespmem:s26+$0x1380];
	vm1 =	vgt.f32 v3, v1  }
0x97: {  	v18 =	vsel vm3, $0xA, v18;
	v1 =	vsel vm1, v3, v1  }
0x98: {  	v18 =	vsel vm4, $0xB, v18;
	vm2 =	vgt.f32 v4, v1  }
0x99: {  	v18 =	vsel vm1, $0xC, v18;
	v1 =	vsel vm2, v4, v1  }
0x9a: {  	v18 =	vsel vm2, $0xD, v18;
	vm1 =	vgt.f32 v5, v1  }
0x9b: {  	v1 =	vsel vm1, v5, v1;
	v18 =	vsel vm1, $0xE, v18  }
0x9c: {  	vm1 =	vgt.f32 v6, v1  }
0x9d: {  	v19 =	vsel vm1, v6, v1;
	v1 =	vsel vm1, $0xF, v18  }
0x9e: {  	vm1 =	vne.s32 v1, $0x0  }
0x9f: {  	vm0 =	vmand vm0, vm1  }
0xa0: {  	v9 =	vnsel vm0, $0xFF800000, v9;
	vm0 =	vne.s32 v1, $0x1  }
0xa1: {  	vm1 =	vgt.f32 v10, v9  }
0xa2: {  	vm0 =	vmand vm0, vm1  }
0xa3: {  	vm1 =	vne.s32 v1, $0x2;
	v9 =	vsel vm0, v10, v9  }
0xa4: {  	vm2 =	vgt.f32 v11, v9  }
0xa5: {  	vm1 =	vmand vm1, vm2  }
0xa6: {  	vm2 =	vne.s32 v1, $0x3;
	v9 =	vsel vm1, v11, v9  }
0xa7: {  	vm3 =	vgt.f32 v12, v9  }
0xa8: {  	vm2 =	vmand vm2, vm3  }
0xa9: {  	vm3 =	vne.s32 v1, $0x4;
	v9 =	vsel vm2, v12, v9  }
0xaa: {  	vm4 =	vgt.f32 v13, v9  }
0xab: {  	vm3 =	vmand vm3, vm4  }
0xac: {  	vm4 =	vne.s32 v1, $0x5;
	v9 =	vsel vm3, v13, v9  }
0xad: {  	vm5 =	vgt.f32 v14, v9  }
0xae: {  	vm4 =	vmand vm4, vm5  }
0xaf: {  	vm5 =	vne.s32 v1, $0x6;
	v9 =	vsel vm4, v14, v9  }
0xb0: {  	vm6 =	vgt.f32 v15, v9  }
0xb1: {  	vm5 =	vmand vm5, vm6  }
0xb2: {  	vm6 =	vne.s32 v1, $0x7;
	v9 =	vsel vm5, v15, v9  }
0xb3: {  	vm7 =	vgt.f32 v16, v9  }
0xb4: {  	vm6 =	vmand vm6, vm7  }
0xb5: {  	vm7 =	vne.s32 v1, $0x8;
	v9 =	vsel vm6, v16, v9  }
0xb6: {  	vm8 =	vgt.f32 v17, v9  }
0xb7: {  	vm7 =	vmand vm7, vm8  }
0xb8: {  	vm8 =	vne.s32 v1, $0x9;
	v9 =	vsel vm7, v17, v9  }
0xb9: {  	vm9 =	vgt.f32 v8, v9  }
0xba: {  	vm8 =	vmand vm8, vm9  }
0xbb: {  	vm9 =	vne.s32 v1, $0xA;
	v8 =	vsel vm8, v8, v9  }
0xbc: {  	vm10 =	vgt.f32 v7, v8  }
0xbd: {  	vm9 =	vmand vm9, vm10  }
0xbe: {  	vm10 =	vne.s32 v1, $0xB;
	v7 =	vsel vm9, v7, v8  }
0xbf: {  	vm11 =	vgt.f32 v2, v7  }
0xc0: {  	vm10 =	vmand vm10, vm11  }
0xc1: {  	vm11 =	vne.s32 v1, $0xC;
	v2 =	vsel vm10, v2, v7  }
0xc2: {  	vm12 =	vgt.f32 v3, v2  }
0xc3: {  	vm11 =	vmand vm11, vm12  }
0xc4: {  	vm12 =	vne.s32 v1, $0xD;
	v2 =	vsel vm11, v3, v2  }
0xc5: {  	vm13 =	vgt.f32 v4, v2  }
0xc6: {  	vm12 =	vmand vm12, vm13  }
0xc7: {  	vm13 =	vne.s32 v1, $0xE;
	v2 =	vsel vm12, v4, v2  }
0xc8: {  	vm14 =	vgt.f32 v5, v2  }
0xc9: {  	vm13 =	vmand vm13, vm14  }
0xca: {  	vm14 =	vne.s32 v1, $0xF;
	v2 =	vsel vm13, v5, v2  }
0xcb: {  	vm15 =	vgt.f32 v6, v2  }
0xcc: {  	vm14 =	vmand vm14, vm15  }
0xcd: {  	v2 =	vsel vm14, v6, v2  }
0xce: {  	v2 =	vsub.f32 v2, v19;
	_ =	sdelay $0x1  }
0xcf: {  	v2 =	vmul.f32 $1.442695020e+00, v2;
	_ =	sdelay $0x1  }
0xd0: {  	(erf) = vpow2.f32 v2;
	_ =	sdelay $0x8  }
0xd1: {  	v2 =	vpop (erf)  }
0xd2: {  	v3 =	vsel vm0, $0x1, v0;
	v2 =	vadd.f32 $1.000000000e+00, v2  }
0xd3: {  	v3 =	vsel vm1, $0x2, v3  }
0xd4: {  	v3 =	vsel vm2, $0x3, v3;
	(erf) = vrcp.f32 v2  }
0xd5: {  	v2 =	vsel vm3, $0x4, v3  }
0xd6: {  	v2 =	vsel vm4, $0x5, v2  }
0xd7: {  	v2 =	vsel vm5, $0x6, v2  }
0xd8: {  	v2 =	vsel vm6, $0x7, v2  }
0xd9: {  	v2 =	vsel vm7, $0x8, v2  }
0xda: {  	v2 =	vsel vm8, $0x9, v2  }
0xdb: {  	v2 =	vsel vm9, $0xA, v2  }
.Ltmp0:
0xdc: {  	v2 =	vsel vm10, $0xB, v2;
	(pc) =	sbr.rel @p0 .LBB2_2-.Ltmp0, $4  }
0xdd: {  	v2 =	vsel vm11, $0xC, v2;
	v3 =	vpop (erf)  }
0xde: {  	v2 =	vsel vm12, $0xD, v2;
	v4 =	vsub.f32 $1.000000000e+00, v3;
	[tilespmem:s19+$0x0] =	vst v3  }
0xdf: {  	s22 =	sadd.s32 $0x80, s22;
	s17 =	sadd.s32 $0x10, s17;
	s18 =	sadd.s32 $0x10, s18;
	v2 =	vsel vm13, $0xE, v2  }
0xe0: {  	s26 =	smov.u32 s25;
	s19 =	sadd.s32 $0x10, s19;
	v2 =	vsel vm14, $0xF, v2;
	[tilespmem:s20+$0x0] =	vst v4;
	s20 =	sadd.s32 $0x10, s20  }
0xe1: {  	s22 =	sand.u32 $0xC00, s22;
	[tilespmem:s23+$0x0] =	vst v1  }
0xe2: {  	s21 =	sor.u32 s21, s22;
	[tilespmem:s24+$0x0] =	vst v2  }
0xe3: {  	v1 =	vld [tilespmem:s21+$0x0]  }
0xe4: {  	v2 =	vld [tilespmem:s21+$0x80];
	_ =	sdelay $0x1  }
0xe5: {  	v3 =	vld [tilespmem:s21+$0x100];
	_ =	sdelay $0x1  }
0xe6: {  	v4 =	vld [tilespmem:s21+$0x180]  }
0xe7: {  	vm0 =	vgt.f32 v2, v1  }
0xe8: {  	v5 =	vld [tilespmem:s21+$0x200];
	v6 =	vsel vm0, v2, v1  }
0xe9: {  	vm1 =	vgt.f32 v3, v6  }
0xea: {  	v7 =	vld [tilespmem:s21+$0x280];
	v6 =	vsel vm1, v3, v6  }
0xeb: {  	vm2 =	vgt.f32 v4, v6  }
0xec: {  	v8 =	vld [tilespmem:s21+$0x300];
	v6 =	vsel vm2, v4, v6  }
0xed: {  	vm3 =	vgt.f32 v5, v6  }
0xee: {  	v9 =	vld [tilespmem:s21+$0x380];
	v6 =	vsel vm3, v5, v6  }
0xef: {  	vm4 =	vgt.f32 v7, v6  }
0xf0: {  	v10 =	vld [tilespmem:s21+$0x1000];
	v6 =	vsel vm4, v7, v6  }
0xf1: {  	vm5 =	vgt.f32 v8, v6  }
0xf2: {  	v11 =	vld [tilespmem:s21+$0x1080];
	v6 =	vsel vm5, v8, v6  }
0xf3: {  	vm6 =	vgt.f32 v9, v6  }
0xf4: {  	v12 =	vld [tilespmem:s21+$0x1100];
	v6 =	vsel vm6, v9, v6  }
0xf5: {  	vm7 =	vgt.f32 v10, v6  }
0xf6: {  	v13 =	vld [tilespmem:s21+$0x1180];
	v14 =	vsel vm0, $0x1, v0;
	v6 =	vsel vm7, v10, v6  }
0xf7: {  	v14 =	vsel vm1, $0x2, v14;
	vm10 =	vgt.f32 v11, v6  }
0xf8: {  	v15 =	vld [tilespmem:s21+$0x1200];
	v14 =	vsel vm2, $0x3, v14;
	v6 =	vsel vm10, v11, v6  }
0xf9: {  	v14 =	vsel vm3, $0x4, v14;
	vm11 =	vgt.f32 v12, v6  }
0xfa: {  	v16 =	vld [tilespmem:s21+$0x1280];
	v14 =	vsel vm4, $0x5, v14;
	v6 =	vsel vm11, v12, v6  }
0xfb: {  	v14 =	vsel vm5, $0x6, v14;
	vm12 =	vgt.f32 v13, v6  }
0xfc: {  	v17 =	vld [tilespmem:s21+$0x1300];
	v14 =	vsel vm6, $0x7, v14;
	v6 =	vsel vm12, v13, v6  }
0xfd: {  	v14 =	vsel vm7, $0x8, v14;
	vm13 =	vgt.f32 v15, v6  }
0xfe: {  	v18 =	vld [tilespmem:s21+$0x1380];
	v14 =	vsel vm10, $0x9, v14;
	v6 =	vsel vm13, v15, v6  }
0xff: {  	v14 =	vsel vm11, $0xA, v14;
	vm14 =	vgt.f32 v16, v6  }
0x100: {  	v14 =	vsel vm12, $0xB, v14;
	v6 =	vsel vm14, v16, v6  }
0x101: {  	v14 =	vsel vm13, $0xC, v14;
	vm15 =	vgt.f32 v17, v6  }
0x102: {  	v14 =	vsel vm14, $0xD, v14;
	v6 =	vsel vm15, v17, v6  }
0x103: {  	v14 =	vsel vm15, $0xE, v14;
	vm4 =	vgt.f32 v18, v6  }
0x104: {  	vm5 =	vlt.f32 v1, $-Inf;
	vm6 =	vgt.f32 v1, $-Inf;
	v14 =	vsel vm4, $0xF, v14  }
0x105: {  	vm1 =	vmor vm6, vm5;
	vm7 =	vne.s32 v14, $0x0  }
0x106: {  	vm1 =	vmand vm1, vm7  }
0x107: {  	v1 =	vnsel vm1, $0xFF800000, v1  }
0x108: {  	vm8 =	vne.s32 v14, $0x1;
	vm9 =	vgt.f32 v2, v1  }
0x109: {  	vm1 =	vmand vm8, vm9  }
0x10a: {  	v1 =	vsel vm1, v2, v1  }
0x10b: {  	vm10 =	vne.s32 v14, $0x2;
	vm11 =	vgt.f32 v3, v1  }
0x10c: {  	vm2 =	vmand vm10, vm11  }
0x10d: {  	v1 =	vsel vm2, v3, v1  }
0x10e: {  	vm12 =	vne.s32 v14, $0x3;
	vm13 =	vgt.f32 v4, v1  }
0x10f: {  	vm3 =	vmand vm12, vm13  }
0x110: {  	v1 =	vsel vm3, v4, v1  }
0x111: {  	v19 =	vimm.s32 $0x0;
	vm14 =	vne.s32 v14, $0x4;
	vm15 =	vgt.f32 v5, v1  }
0x112: {  	v19 =	vsel vm4, $0xFFFFFFFF, v19;
	vm4 =	vmand vm14, vm15  }
0x113: {  	v1 =	vsel vm4, v5, v1  }
0x114: {  	vm0 =	vne.s32 v14, $0x5;
	vm9 =	vgt.f32 v7, v1  }
0x115: {  	vm5 =	vmand vm0, vm9  }
0x116: {  	v1 =	vsel vm5, v7, v1  }
0x117: {  	vm10 =	vne.s32 v14, $0x6;
	vm11 =	vgt.f32 v8, v1  }
0x118: {  	vm6 =	vmand vm10, vm11  }
0x119: {  	v1 =	vsel vm6, v8, v1  }
0x11a: {  	vm12 =	vne.s32 v14, $0x7;
	vm8 =	vgt.f32 v9, v1  }
0x11b: {  	vm7 =	vmand vm12, vm8  }
0x11c: {  	v1 =	vsel vm7, v9, v1  }
0x11d: {  	vm13 =	vne.s32 v14, $0x8;
	vm9 =	vgt.f32 v10, v1  }
0x11e: {  	vm8 =	vmand vm13, vm9  }
0x11f: {  	v1 =	vsel vm8, v10, v1  }
0x120: {  	vm14 =	vne.s32 v14, $0x9;
	vm10 =	vgt.f32 v11, v1  }
0x121: {  	vm9 =	vmand vm14, vm10  }
0x122: {  	v1 =	vsel vm9, v11, v1  }
0x123: {  	vm15 =	vne.s32 v14, $0xA;
	vm11 =	vgt.f32 v12, v1  }
0x124: {  	vm10 =	vmand vm15, vm11  }
0x125: {  	v1 =	vsel vm10, v12, v1  }
0x126: {  	vm0 =	vne.s32 v14, $0xB;
	vm12 =	vgt.f32 v13, v1  }
0x127: {  	vm11 =	vmand vm0, vm12  }
0x128: {  	v1 =	vsel vm11, v13, v1  }
0x129: {  	vm0 =	vne.s32 v14, $0xC;
	vm13 =	vgt.f32 v15, v1  }
0x12a: {  	vm12 =	vmand vm0, vm13  }
0x12b: {  	v1 =	vsel vm12, v15, v1  }
0x12c: {  	vm0 =	vne.s32 v14, $0xD;
	vm14 =	vgt.f32 v16, v1  }
0x12d: {  	[tilespmem:$0x1FFE0] =	vst v19;
	vm13 =	vmand vm0, vm14  }
0x12e: {  	v2 =	vld [tilespmem:$0x1FFE0];
	v1 =	vsel vm13, v16, v1  }
0x12f: {  	vm0 =	vne.s32 v14, $0xE;
	vm15 =	vgt.f32 v17, v1  }
0x130: {  	vm14 =	vmand vm0, vm15  }
0x131: {  	v1 =	vsel vm14, v17, v1  }
0x132: {  	vm15 =	vne.s32 v14, $0xF;
	vm0 =	vgt.f32 v18, v1  }
0x133: {  	vm0 =	vmand vm15, vm0;
	vm15 =	vnez.u8 v2  }
0x134: {  	v2 =	vsel vm15, v18, v6;
	v1 =	vsel vm0, v18, v1  }
0x135: {  	v1 =	vsub.f32 v1, v2;
	_ =	sdelay $0x1  }
0x136: {  	v1 =	vmul.f32 $1.442695020e+00, v1;
	_ =	sdelay $0x1  }
0x137: {  	(erf) = vpow2.f32 v1;
	_ =	sdelay $0x8  }
0x138: {  	v1 =	vpop (erf)  }
0x139: {  	v1 =	vadd.f32 $1.000000000e+00, v1  }
0x13a: {  	v2 =	vsel vm1, $0x1, v0  }
0x13b: {  	v2 =	vsel vm2, $0x2, v2;
	(erf) = vrcp.f32 v1  }
0x13c: {  	v1 =	vsel vm3, $0x3, v2  }
0x13d: {  	v1 =	vsel vm4, $0x4, v1  }
0x13e: {  	v1 =	vsel vm5, $0x5, v1  }
0x13f: {  	v1 =	vsel vm6, $0x6, v1  }
0x140: {  	v1 =	vsel vm7, $0x7, v1  }
0x141: {  	v1 =	vsel vm8, $0x8, v1  }
0x142: {  	v1 =	vsel vm9, $0x9, v1  }
0x143: {  	v1 =	vsel vm10, $0xA, v1  }
0x144: {  	v1 =	vsel vm11, $0xB, v1;
	v2 =	vpop (erf)  }
0x145: {  	v1 =	vsel vm12, $0xC, v1;
	v3 =	vsub.f32 $1.000000000e+00, v2  }
0x146: {  	v1 =	vsel vm13, $0xD, v1;
	[tilespmem:s19+$0x0] =	vst v2  }
0x147: {  	v1 =	vsel vm14, $0xE, v1;
	[tilespmem:s20+$0x0] =	vst v3  }
0x148: {  	v1 =	vsel vm0, $0xF, v1;
	[tilespmem:s17+$0x0] =	vst v14  }
0x149: {  	[tilespmem:s18+$0x0] =	vst v1  }
0x14a: {  	[hbm4b:s4+s2] =	stream.linear.scatter [tilespmem:s12], [sflag:$0x1], $0x200, $0x38;
	[tilespmem:$0x2800] =	vst v63  }
0x14b: {  	_ =	swait.ge [sflag:s11], $0x200  }
0x14c: {  	[sflag:s11] =	ssyncset.done $0x0  }
0x14d: {  	[sflag:s11] =	ssyncadd.s32 $0xFFFFFE00  }
0x14e: {  	[hbm4b:s5+s2] =	stream.linear.scatter [tilespmem:s13], [sflag:$0x1], $0x200, $0x38;
	[tilespmem:$0x2800] =	vst v63  }
0x14f: {  	_ =	swait.ge [sflag:s11], $0x200  }
0x150: {  	[sflag:s11] =	ssyncset.done $0x0  }
0x151: {  	[sflag:s11] =	ssyncadd.s32 $0xFFFFFE00  }
0x152: {  	[hbm4b:s6+s2] =	stream.linear.scatter [tilespmem:s14], [sflag:$0x1], $0x200, $0x38;
	[tilespmem:$0x2800] =	vst v63  }
0x153: {  	s16 =	sadd.s32 $0x1, s16;
	_ =	swait.ge [sflag:s11], $0x200  }
0x154: {  	p0 =	sne.s32 s16, s8;
	[sflag:s11] =	ssyncset.done $0x0  }
.Ltmp1:
0x155: {  	[sflag:s11] =	ssyncadd.s32 $0xFFFFFE00;
	(pc) =	sbr.rel @p0 .LBB2_1-.Ltmp1, $4  }
0x156: {  	[hbm4b:s7+s2] =	stream.linear.scatter [tilespmem:s15], [sflag:$0x1], $0x200, $0x38;
	[tilespmem:$0x2800] =	vst v63  }
0x157: {  	_ =	swait.ge [sflag:s11], $0x200  }
0x158: {  	[sflag:s11] =	ssyncset.done $0x0  }
0x159: {  	[sflag:s11] =	ssyncadd.s32 $0xFFFFFE00  }
0x15a: {  	_ =	sfence.sel $0x180000  }
0x15b: {  	[bflag:$0x0] =	sbarrier.arrive $0xFFFF  }
0x15c: {  	p0 =	sne.s32 s1, $0x0;
	_ =	strace $0x90000047  }
0x15d: {  	s0 =	sadd.s32 @!p0 $0x100000, s0;
	[bflag:$0x2] =	sbarrier.arrive $0xFFFF  }
0x15e: {  	[sflag:s0] =	ssyncadd.tile.s32 @!p0 $0x1;
	_ =	shalt  }
.Lfunc_end2:
_tile_overlayer_lowered:
.L_overlay_start_2:
0x15f: {  	(tag) =	ssettag $0x2  }
0x160: {  	s0 =	rddreg [dreg:$0x0];
	s2 =	stileid.u32  }
0x161: {  	s1 =	rddreg [dreg:$0x1];
	p0 =	sne.s32 s2, $0x0  }
0x162: {  	s3 =	rddreg [dreg:$0x2];
	[bflag:$0x3] =	sbarrier.arrive $0xFFFF;
	s2 =	simm.s32 @!p0 $0x1C01  }
0x163: {  	[timem:s3], [sflag:s2] =	dma.local @!p0 [hbm:s0], s1  }
0x164: {  	s0 =	simm.s32 @!p0 $0x1  }
0x165: {  	_ =	swait.ge @!p0 [sflag:s0], s1  }
0x166: {  	s1 =	ssub.s32 @!p0 $0x0, s1;
	[sflag:s0] =	ssyncset.done @!p0 $0x0  }
0x167: {  	[sflag:s0] =	ssyncadd.s32 @!p0 s1  }
0x168: {  	[bflag:$0x3] =	sbarrier.arrive $0xFFFF  }
0x169: {  	_ =	shalt  }

</sc_bundles>
